<compile_context>
chip_gen: v7x
topology: tpu7x:2x2x1
jax: 0.10.2.dev20260603
libtpu: 0.0.44.dev20260713+nightly
codegen_flags: <defaults>
</compile_context>

<pallas_src>
import functools

import jax
import jax.numpy as jnp
from jax import lax
from jax.experimental import pallas as pl
from jax.experimental.pallas import tpu as pltpu
from jax.experimental.pallas import tpu_sc as plsc

B = 16384
N_CAT = 26
N_CTS = 4
VOCAB = 100000
DIM = 16
H = 256
NC, NS = 2, 16
NW = NC * NS
CHUNK = B // NW
CAT_W = N_CAT * DIM
BLK = 2048
PACK = 128 // DIM
VOCAB_P = 102400
TCH = 2048


def _relayout(table):
    def body(i_ref, o_ref):
        for k in range(PACK):
            o_ref[:, k * DIM:(k + 1) * DIM] = i_ref[k::PACK, :]

    return pl.pallas_call(
        body,
        grid=(VOCAB_P // TCH,),
        in_specs=[pl.BlockSpec((TCH, DIM), lambda i: (i, 0))],
        out_specs=pl.BlockSpec((TCH // PACK, 128), lambda i: (i, 0)),
        out_shape=jax.ShapeDtypeStruct((VOCAB_P // PACK, 128), jnp.float32),
    )(table)


def _sc_gather(idx_perm, *tables):
    mesh = plsc.VectorSubcoreMesh(core_axis_name="c", subcore_axis_name="s")

    @functools.partial(
        pl.kernel,
        out_type=jax.ShapeDtypeStruct((B, CAT_W), jnp.float32),
        mesh=mesh,
        scratch_types=[
            pltpu.VMEM((N_CAT, CHUNK), jnp.int32),
            pltpu.VMEM((CHUNK, DIM), jnp.float32),
            pltpu.VMEM((CHUNK, DIM), jnp.float32),
            pltpu.SemaphoreType.DMA,
            pltpu.SemaphoreType.DMA,
        ],
        compiler_params=pltpu.CompilerParams(use_tc_tiling_on_sc=False),
    )
    def k(idx_hbm, *rest):
        tables_hbm = rest[:N_CAT]
        out_hbm, idx_v, rows0, rows1, sem0, sem1 = rest[N_CAT:]
        rows = (rows0, rows1)
        sems = (sem0, sem1)
        wid = lax.axis_index("s") * NC + lax.axis_index("c")
        base = wid * CHUNK
        pltpu.sync_copy(idx_hbm.at[wid], idx_v)
        handles = [None, None]
        handles[0] = pltpu.async_copy(
            tables_hbm[0].at[idx_v.at[0]], rows[0], sems[0])
        for t in range(N_CAT):
            if t + 1 < N_CAT:
                s = (t + 1) % 2
                handles[s] = pltpu.async_copy(
                    tables_hbm[t + 1].at[idx_v.at[t + 1]], rows[s], sems[s])
            handles[t % 2].wait()
            pltpu.sync_copy(
                rows[t % 2],
                out_hbm.at[pl.ds(base, CHUNK), pl.ds(t * DIM, DIM)])

    return k(idx_perm, *tables)


def _tc_mlp(e, xc, we, bcf, W1, b1, W2, b2):
    def body(e_ref, xc_ref, we_ref, bcf_ref, w1a_ref, w1b_ref, b1_ref,
             w2_ref, b2_ref, o_ref):
        ev = e_ref[...]
        lane = lax.broadcasted_iota(jnp.int32, ev.shape, 1)
        x_cat = jnp.where(lane < DIM, ev, jnp.maximum(ev, 0.0))
        x_cts = jnp.maximum(
            jnp.dot(xc_ref[...], we_ref[...],
                    preferred_element_type=jnp.float32) + bcf_ref[...], 0.0)
        h = jnp.maximum(
            jnp.dot(x_cat, w1a_ref[...], preferred_element_type=jnp.float32)
            + jnp.dot(x_cts, w1b_ref[...], preferred_element_type=jnp.float32)
            + b1_ref[...], 0.0)
        y = jnp.dot(h, w2_ref[...],
                    preferred_element_type=jnp.float32) + b2_ref[...]
        o_ref[...] = jnp.exp(y)

    W1a = W1[:CAT_W]
    W1b = W1[CAT_W:]
    return pl.pallas_call(
        body,
        grid=(B // BLK,),
        in_specs=[
            pl.BlockSpec((BLK, CAT_W), lambda i: (i, 0)),
            pl.BlockSpec((BLK, N_CTS), lambda i: (i, 0)),
            pl.BlockSpec((N_CTS, N_CTS * DIM), lambda i: (0, 0)),
            pl.BlockSpec((1, N_CTS * DIM), lambda i: (0, 0)),
            pl.BlockSpec((CAT_W, H), lambda i: (0, 0)),
            pl.BlockSpec((N_CTS * DIM, H), lambda i: (0, 0)),
            pl.BlockSpec((1, H), lambda i: (0, 0)),
            pl.BlockSpec((H, 1), lambda i: (0, 0)),
            pl.BlockSpec((1, 1), lambda i: (0, 0)),
        ],
        out_specs=pl.BlockSpec((BLK, 1), lambda i: (i, 0)),
        out_shape=jax.ShapeDtypeStruct((B, 1), jnp.float32),
    )(e, xc, we, bcf, W1a, W1b, b1, W2, b2)


def kernel(x, tables, cts_w, cts_b, W1, b1, W2, b2):
    idx = x[:, :N_CAT].astype(jnp.int32)
    idx_perm = (idx.T.reshape(N_CAT, NW, CHUNK)
                .transpose(1, 0, 2))
    flat = [
        _relayout(jnp.pad(t, ((0, VOCAB_P - VOCAB), (0, 0))))
        .reshape(VOCAB_P, DIM)
        for t in tables
    ]
    e = _sc_gather(idx_perm, *flat)
    xc = x[:, N_CAT:]
    wc = jnp.stack([w[:, 0] for w in cts_w], axis=0)
    we = wc[:, None, :] * jnp.eye(N_CTS, dtype=x.dtype)[:, :, None]
    we = we.reshape(N_CTS, N_CTS * DIM)
    bcf = jnp.concatenate(cts_b, axis=0).reshape(1, N_CTS * DIM)
    return _tc_mlp(e, xc, we, bcf, W1, b1.reshape(1, H), W2,
                   b2.reshape(1, 1))

# --- scband reference (transcript-rebuilt; emitter-appended) ---
"""Pipeline reference for scband-my-net-18889266168135 (READ-ONLY COPY).

The authoritative reference and input builder live on the scoring server;
editing this copy changes nothing except your own understanding.
"""

import jax, jax.numpy as jnp
import numpy as np

B = 16384
N_CAT = 26
N_CTS = 4
VOCAB = 100000
DIM = 16
H = 256


def setup_inputs(seed: int = 0) -> dict:
    key = jax.random.key(seed)
    ks = jax.random.split(key, 8)
    cat_cols = jax.random.randint(ks[0], (B, N_CAT), 0, VOCAB).astype(jnp.float32)
    cts_cols = jax.random.normal(ks[1], (B, N_CTS), dtype=jnp.float32)
    x = jnp.concatenate([cat_cols, cts_cols], axis=1)
    tables = tuple(
        jax.random.normal(jax.random.fold_in(ks[2], i), (VOCAB, DIM), dtype=jnp.float32) * 0.02
        for i in range(N_CAT)
    )
    cts_w = tuple(
        jax.random.normal(jax.random.fold_in(ks[3], i), (DIM, 1), dtype=jnp.float32) * 0.1
        for i in range(N_CTS)
    )
    cts_b = tuple(jnp.zeros((DIM,), dtype=jnp.float32) for _ in range(N_CTS))
    W1 = jax.random.normal(ks[4], ((N_CAT + N_CTS) * DIM, H), dtype=jnp.float32) * 0.05
    b1 = jnp.zeros((H,), dtype=jnp.float32)
    W2 = jax.random.normal(ks[5], (H, 1), dtype=jnp.float32) * 0.05
    b2 = jnp.zeros((1,), dtype=jnp.float32)
    return {"x": x, "tables": tables, "cts_w": cts_w, "cts_b": cts_b, "W1": W1, "b1": b1, "W2": W2, "b2": b2}


def reference(x, tables, cts_w, cts_b, W1, b1, W2, b2):
    # first categorical embedding: NO relu (matches torch code exactly)
    idx0 = jax.lax.stop_gradient(x[:, 0]).astype(jnp.int32)
    outs = [jnp.take(tables[0], idx0, axis=0)]
    for i in range(1, N_CAT):
        idx = jax.lax.stop_gradient(x[:, i]).astype(jnp.int32)
        e = jnp.take(tables[i], idx, axis=0)
        outs.append(jax.nn.relu(e))
    for j in range(N_CTS):
        col = x[:, N_CAT + j:N_CAT + j + 1]
        e = col @ cts_w[j].T + cts_b[j]
        outs.append(jax.nn.relu(e))
    out = jnp.concatenate(outs, axis=1)
    h = jax.nn.relu(out @ W1 + b1)
    y = h @ W2 + b2
    return jnp.exp(y)

if __name__ == "__main__":
    import jax
    _d = setup_inputs()
    print(jax.jit(kernel)(*tuple(_d.values())))

</pallas_src>

<mosaic_0001>
#map = affine_map<(d0, d1) -> (0, 0, 0)>
#map1 = affine_map<(d0, d1) -> (0, 0)>
module attributes {stable_mosaic.version = 14 : i64} {
  func.func @k(%arg0: i32, %arg1: i32, %arg2: memref<32x26x512xi32, #tpu.memory_space<hbm>>, %arg3: memref<102400x16xf32, #tpu.memory_space<hbm>>, %arg4: memref<102400x16xf32, #tpu.memory_space<hbm>>, %arg5: memref<102400x16xf32, #tpu.memory_space<hbm>>, %arg6: memref<102400x16xf32, #tpu.memory_space<hbm>>, %arg7: memref<102400x16xf32, #tpu.memory_space<hbm>>, %arg8: memref<102400x16xf32, #tpu.memory_space<hbm>>, %arg9: memref<102400x16xf32, #tpu.memory_space<hbm>>, %arg10: memref<102400x16xf32, #tpu.memory_space<hbm>>, %arg11: memref<102400x16xf32, #tpu.memory_space<hbm>>, %arg12: memref<102400x16xf32, #tpu.memory_space<hbm>>, %arg13: memref<102400x16xf32, #tpu.memory_space<hbm>>, %arg14: memref<102400x16xf32, #tpu.memory_space<hbm>>, %arg15: memref<102400x16xf32, #tpu.memory_space<hbm>>, %arg16: memref<102400x16xf32, #tpu.memory_space<hbm>>, %arg17: memref<102400x16xf32, #tpu.memory_space<hbm>>, %arg18: memref<102400x16xf32, #tpu.memory_space<hbm>>, %arg19: memref<102400x16xf32, #tpu.memory_space<hbm>>, %arg20: memref<102400x16xf32, #tpu.memory_space<hbm>>, %arg21: memref<102400x16xf32, #tpu.memory_space<hbm>>, %arg22: memref<102400x16xf32, #tpu.memory_space<hbm>>, %arg23: memref<102400x16xf32, #tpu.memory_space<hbm>>, %arg24: memref<102400x16xf32, #tpu.memory_space<hbm>>, %arg25: memref<102400x16xf32, #tpu.memory_space<hbm>>, %arg26: memref<102400x16xf32, #tpu.memory_space<hbm>>, %arg27: memref<102400x16xf32, #tpu.memory_space<hbm>>, %arg28: memref<102400x16xf32, #tpu.memory_space<hbm>>, %arg29: memref<16384x416xf32, #tpu.memory_space<hbm>>, %arg30: memref<26x512xi32, #tpu.memory_space<vmem>>, %arg31: memref<512x16xf32, #tpu.memory_space<vmem>>, %arg32: memref<512x16xf32, #tpu.memory_space<vmem>>, %arg33: memref<!tpu.dma_semaphore, #tpu.memory_space<semaphore_mem>>, %arg34: memref<!tpu.dma_semaphore, #tpu.memory_space<semaphore_mem>>) attributes {dimension_semantics = [#tpu.dimension_semantics<core_parallel>, #tpu.dimension_semantics<subcore_parallel>], iteration_bounds = array<i64: 2, 16>, scalar_prefetch = 0 : i64, scratch_operands = 5 : i64, tpu.core_type = #tpu.core_type<sc_vector_subcore>, window_params = [{transform_indices = #map}, {transform_indices = #map1}, {transform_indices = #map1}, {transform_indices = #map1}, {transform_indices = #map1}, {transform_indices = #map1}, {transform_indices = #map1}, {transform_indices = #map1}, {transform_indices = #map1}, {transform_indices = #map1}, {transform_indices = #map1}, {transform_indices = #map1}, {transform_indices = #map1}, {transform_indices = #map1}, {transform_indices = #map1}, {transform_indices = #map1}, {transform_indices = #map1}, {transform_indices = #map1}, {transform_indices = #map1}, {transform_indices = #map1}, {transform_indices = #map1}, {transform_indices = #map1}, {transform_indices = #map1}, {transform_indices = #map1}, {transform_indices = #map1}, {transform_indices = #map1}, {transform_indices = #map1}, {transform_indices = #map1}]} {
    %mul3A = arith.constant 2 : i32
    %mul3A_0 = arith.muli %arg1, %mul3A : i32
    %add3A = arith.addi %mul3A_0, %arg0 : i32
    %mul3A_1 = arith.constant 512 : i32
    %mul3A_2 = arith.muli %add3A, %mul3A_1 : i32
    "tpu.region"() ({
      %run_scoped3A = tpu.sem_alloc : memref<!tpu.dma_semaphore, #tpu.memory_space<semaphore_mem>>
      %dma_start3A_365 = arith.constant 0 : i32
      %dma_start3A_366 = arith.constant 0 : i32
      %dma_start3A_367 = tpu.memref_slice %arg2[%add3A, %dma_start3A_365, %dma_start3A_366] : memref<32x26x512xi32, #tpu.memory_space<hbm>> -> memref<1x26x512xi32, #tpu.memory_space<hbm>>
      %dma_start3A_368 = tpu.memref_squeeze %dma_start3A_367 : memref<1x26x512xi32, #tpu.memory_space<hbm>> -> memref<26x512xi32, #tpu.memory_space<hbm>>
      %dma_start3A_369 = arith.constant 0 : i32
      %dma_start3A_370 = arith.constant 0 : i32
      %dma_start3A_371 = tpu.memref_slice %arg2[%add3A, %dma_start3A_369, %dma_start3A_370] : memref<32x26x512xi32, #tpu.memory_space<hbm>> -> memref<1x26x512xi32, #tpu.memory_space<hbm>>
      %dma_start3A_372 = tpu.memref_squeeze %dma_start3A_371 : memref<1x26x512xi32, #tpu.memory_space<hbm>> -> memref<26x512xi32, #tpu.memory_space<hbm>>
      tpu.enqueue_dma source(%dma_start3A_372 : memref<26x512xi32, #tpu.memory_space<hbm>>) target(%arg30 : memref<26x512xi32, #tpu.memory_space<vmem>>) target_semaphore(%run_scoped3A : memref<!tpu.dma_semaphore, #tpu.memory_space<semaphore_mem>>)
      %dma_wait3A_373 = arith.constant 0 : i32
      %dma_wait3A_374 = arith.constant 0 : i32
      %dma_wait3A_375 = tpu.memref_slice %arg2[%add3A, %dma_wait3A_373, %dma_wait3A_374] : memref<32x26x512xi32, #tpu.memory_space<hbm>> -> memref<1x26x512xi32, #tpu.memory_space<hbm>>
      %dma_wait3A_376 = tpu.memref_squeeze %dma_wait3A_375 : memref<1x26x512xi32, #tpu.memory_space<hbm>> -> memref<26x512xi32, #tpu.memory_space<hbm>>
      %dma_wait3A_377 = arith.constant 0 : i32
      %dma_wait3A_378 = arith.constant 0 : i32
      %dma_wait3A_379 = tpu.memref_slice %arg2[%add3A, %dma_wait3A_377, %dma_wait3A_378] : memref<32x26x512xi32, #tpu.memory_space<hbm>> -> memref<1x26x512xi32, #tpu.memory_space<hbm>>
      %dma_wait3A_380 = tpu.memref_squeeze %dma_wait3A_379 : memref<1x26x512xi32, #tpu.memory_space<hbm>> -> memref<26x512xi32, #tpu.memory_space<hbm>>
      tpu.wait_dma2 semaphore(%run_scoped3A : memref<!tpu.dma_semaphore, #tpu.memory_space<semaphore_mem>>) src(%dma_wait3A_380 : memref<26x512xi32, #tpu.memory_space<hbm>>) dst(%arg30 : memref<26x512xi32, #tpu.memory_space<vmem>>)
      tpu.yield
    }) : () -> ()
    %dma_start3A = arith.constant 0 : i32
    %dma_start3A_3 = arith.constant 0 : i32
    %dma_start3A_4 = tpu.memref_slice %arg30[%dma_start3A, %dma_start3A_3] : memref<26x512xi32, #tpu.memory_space<vmem>> -> memref<1x512xi32, #tpu.memory_space<vmem>>
    %dma_start3A_5 = tpu.memref_squeeze %dma_start3A_4 : memref<1x512xi32, #tpu.memory_space<vmem>> -> memref<512xi32, #tpu.memory_space<vmem>>
    %dma_start3A_6 = arith.constant 0 : i32
    %dma_start3A_7 = arith.constant 0 : i32
    %dma_start3A_8 = tpu.memref_slice %arg3[%dma_start3A_6, %dma_start3A_7] : memref<102400x16xf32, #tpu.memory_space<hbm>> -> memref<102400x16xf32, #tpu.memory_space<hbm>>
    tpu.enqueue_indirect_dma source(%dma_start3A_8 : memref<102400x16xf32, #tpu.memory_space<hbm>>) target(%arg31 : memref<512x16xf32, #tpu.memory_space<vmem>>) offsets(%dma_start3A_5 : memref<512xi32, #tpu.memory_space<vmem>>) semaphore(%arg33 : memref<!tpu.dma_semaphore, #tpu.memory_space<semaphore_mem>>)
    %dma_start3A_9 = arith.constant 1 : i32
    %dma_start3A_10 = arith.constant 0 : i32
    %dma_start3A_11 = tpu.memref_slice %arg30[%dma_start3A_9, %dma_start3A_10] : memref<26x512xi32, #tpu.memory_space<vmem>> -> memref<1x512xi32, #tpu.memory_space<vmem>>
    %dma_start3A_12 = tpu.memref_squeeze %dma_start3A_11 : memref<1x512xi32, #tpu.memory_space<vmem>> -> memref<512xi32, #tpu.memory_space<vmem>>
    %dma_start3A_13 = arith.constant 0 : i32
    %dma_start3A_14 = arith.constant 0 : i32
    %dma_start3A_15 = tpu.memref_slice %arg4[%dma_start3A_13, %dma_start3A_14] : memref<102400x16xf32, #tpu.memory_space<hbm>> -> memref<102400x16xf32, #tpu.memory_space<hbm>>
    tpu.enqueue_indirect_dma source(%dma_start3A_15 : memref<102400x16xf32, #tpu.memory_space<hbm>>) target(%arg32 : memref<512x16xf32, #tpu.memory_space<vmem>>) offsets(%dma_start3A_12 : memref<512xi32, #tpu.memory_space<vmem>>) semaphore(%arg34 : memref<!tpu.dma_semaphore, #tpu.memory_space<semaphore_mem>>)
    %dma_wait3A = arith.constant 0 : i32
    %dma_wait3A_16 = arith.constant 0 : i32
    %dma_wait3A_17 = tpu.memref_slice %arg30[%dma_wait3A, %dma_wait3A_16] : memref<26x512xi32, #tpu.memory_space<vmem>> -> memref<1x512xi32, #tpu.memory_space<vmem>>
    %dma_wait3A_18 = tpu.memref_squeeze %dma_wait3A_17 : memref<1x512xi32, #tpu.memory_space<vmem>> -> memref<512xi32, #tpu.memory_space<vmem>>
    %dma_wait3A_19 = arith.constant 0 : i32
    %dma_wait3A_20 = arith.constant 0 : i32
    %dma_wait3A_21 = tpu.memref_slice %arg3[%dma_wait3A_19, %dma_wait3A_20] : memref<102400x16xf32, #tpu.memory_space<hbm>> -> memref<102400x16xf32, #tpu.memory_space<hbm>>
    tpu.wait_indirect_dma semaphore(%arg33 : memref<!tpu.dma_semaphore, #tpu.memory_space<semaphore_mem>>) src(%dma_wait3A_21 : memref<102400x16xf32, #tpu.memory_space<hbm>>) dst(%arg31 : memref<512x16xf32, #tpu.memory_space<vmem>>)
    "tpu.region"() ({
      %run_scoped3A = tpu.sem_alloc : memref<!tpu.dma_semaphore, #tpu.memory_space<semaphore_mem>>
      %dma_start3A_365 = arith.constant 0 : i32
      %dma_start3A_366 = tpu.memref_slice %arg29[%mul3A_2, %dma_start3A_365] : memref<16384x416xf32, #tpu.memory_space<hbm>> -> memref<512x16xf32, #tpu.memory_space<hbm>>
      %dma_start3A_367 = arith.constant 0 : i32
      %dma_start3A_368 = tpu.memref_slice %arg29[%mul3A_2, %dma_start3A_367] : memref<16384x416xf32, #tpu.memory_space<hbm>> -> memref<512x16xf32, #tpu.memory_space<hbm>>
      tpu.enqueue_dma source(%arg31 : memref<512x16xf32, #tpu.memory_space<vmem>>) target(%dma_start3A_368 : memref<512x16xf32, #tpu.memory_space<hbm>>) target_semaphore(%run_scoped3A : memref<!tpu.dma_semaphore, #tpu.memory_space<semaphore_mem>>)
      %dma_wait3A_369 = arith.constant 0 : i32
      %dma_wait3A_370 = tpu.memref_slice %arg29[%mul3A_2, %dma_wait3A_369] : memref<16384x416xf32, #tpu.memory_space<hbm>> -> memref<512x16xf32, #tpu.memory_space<hbm>>
      %dma_wait3A_371 = arith.constant 0 : i32
      %dma_wait3A_372 = tpu.memref_slice %arg29[%mul3A_2, %dma_wait3A_371] : memref<16384x416xf32, #tpu.memory_space<hbm>> -> memref<512x16xf32, #tpu.memory_space<hbm>>
      tpu.wait_dma2 semaphore(%run_scoped3A : memref<!tpu.dma_semaphore, #tpu.memory_space<semaphore_mem>>) src(%arg31 : memref<512x16xf32, #tpu.memory_space<vmem>>) dst(%dma_wait3A_372 : memref<512x16xf32, #tpu.memory_space<hbm>>)
      tpu.yield
    }) : () -> ()
    %dma_start3A_22 = arith.constant 2 : i32
    %dma_start3A_23 = arith.constant 0 : i32
    %dma_start3A_24 = tpu.memref_slice %arg30[%dma_start3A_22, %dma_start3A_23] : memref<26x512xi32, #tpu.memory_space<vmem>> -> memref<1x512xi32, #tpu.memory_space<vmem>>
    %dma_start3A_25 = tpu.memref_squeeze %dma_start3A_24 : memref<1x512xi32, #tpu.memory_space<vmem>> -> memref<512xi32, #tpu.memory_space<vmem>>
    %dma_start3A_26 = arith.constant 0 : i32
    %dma_start3A_27 = arith.constant 0 : i32
    %dma_start3A_28 = tpu.memref_slice %arg5[%dma_start3A_26, %dma_start3A_27] : memref<102400x16xf32, #tpu.memory_space<hbm>> -> memref<102400x16xf32, #tpu.memory_space<hbm>>
    tpu.enqueue_indirect_dma source(%dma_start3A_28 : memref<102400x16xf32, #tpu.memory_space<hbm>>) target(%arg31 : memref<512x16xf32, #tpu.memory_space<vmem>>) offsets(%dma_start3A_25 : memref<512xi32, #tpu.memory_space<vmem>>) semaphore(%arg33 : memref<!tpu.dma_semaphore, #tpu.memory_space<semaphore_mem>>)
    %dma_wait3A_29 = arith.constant 1 : i32
    %dma_wait3A_30 = arith.constant 0 : i32
    %dma_wait3A_31 = tpu.memref_slice %arg30[%dma_wait3A_29, %dma_wait3A_30] : memref<26x512xi32, #tpu.memory_space<vmem>> -> memref<1x512xi32, #tpu.memory_space<vmem>>
    %dma_wait3A_32 = tpu.memref_squeeze %dma_wait3A_31 : memref<1x512xi32, #tpu.memory_space<vmem>> -> memref<512xi32, #tpu.memory_space<vmem>>
    %dma_wait3A_33 = arith.constant 0 : i32
    %dma_wait3A_34 = arith.constant 0 : i32
    %dma_wait3A_35 = tpu.memref_slice %arg4[%dma_wait3A_33, %dma_wait3A_34] : memref<102400x16xf32, #tpu.memory_space<hbm>> -> memref<102400x16xf32, #tpu.memory_space<hbm>>
    tpu.wait_indirect_dma semaphore(%arg34 : memref<!tpu.dma_semaphore, #tpu.memory_space<semaphore_mem>>) src(%dma_wait3A_35 : memref<102400x16xf32, #tpu.memory_space<hbm>>) dst(%arg32 : memref<512x16xf32, #tpu.memory_space<vmem>>)
    "tpu.region"() ({
      %run_scoped3A = tpu.sem_alloc : memref<!tpu.dma_semaphore, #tpu.memory_space<semaphore_mem>>
      %dma_start3A_365 = arith.constant 16 : i32
      %dma_start3A_366 = tpu.memref_slice %arg29[%mul3A_2, %dma_start3A_365] : memref<16384x416xf32, #tpu.memory_space<hbm>> -> memref<512x16xf32, #tpu.memory_space<hbm>>
      %dma_start3A_367 = arith.constant 16 : i32
      %dma_start3A_368 = tpu.memref_slice %arg29[%mul3A_2, %dma_start3A_367] : memref<16384x416xf32, #tpu.memory_space<hbm>> -> memref<512x16xf32, #tpu.memory_space<hbm>>
      tpu.enqueue_dma source(%arg32 : memref<512x16xf32, #tpu.memory_space<vmem>>) target(%dma_start3A_368 : memref<512x16xf32, #tpu.memory_space<hbm>>) target_semaphore(%run_scoped3A : memref<!tpu.dma_semaphore, #tpu.memory_space<semaphore_mem>>)
      %dma_wait3A_369 = arith.constant 16 : i32
      %dma_wait3A_370 = tpu.memref_slice %arg29[%mul3A_2, %dma_wait3A_369] : memref<16384x416xf32, #tpu.memory_space<hbm>> -> memref<512x16xf32, #tpu.memory_space<hbm>>
      %dma_wait3A_371 = arith.constant 16 : i32
      %dma_wait3A_372 = tpu.memref_slice %arg29[%mul3A_2, %dma_wait3A_371] : memref<16384x416xf32, #tpu.memory_space<hbm>> -> memref<512x16xf32, #tpu.memory_space<hbm>>
      tpu.wait_dma2 semaphore(%run_scoped3A : memref<!tpu.dma_semaphore, #tpu.memory_space<semaphore_mem>>) src(%arg32 : memref<512x16xf32, #tpu.memory_space<vmem>>) dst(%dma_wait3A_372 : memref<512x16xf32, #tpu.memory_space<hbm>>)
      tpu.yield
    }) : () -> ()
    %dma_start3A_36 = arith.constant 3 : i32
    %dma_start3A_37 = arith.constant 0 : i32
    %dma_start3A_38 = tpu.memref_slice %arg30[%dma_start3A_36, %dma_start3A_37] : memref<26x512xi32, #tpu.memory_space<vmem>> -> memref<1x512xi32, #tpu.memory_space<vmem>>
    %dma_start3A_39 = tpu.memref_squeeze %dma_start3A_38 : memref<1x512xi32, #tpu.memory_space<vmem>> -> memref<512xi32, #tpu.memory_space<vmem>>
    %dma_start3A_40 = arith.constant 0 : i32
    %dma_start3A_41 = arith.constant 0 : i32
    %dma_start3A_42 = tpu.memref_slice %arg6[%dma_start3A_40, %dma_start3A_41] : memref<102400x16xf32, #tpu.memory_space<hbm>> -> memref<102400x16xf32, #tpu.memory_space<hbm>>
    tpu.enqueue_indirect_dma source(%dma_start3A_42 : memref<102400x16xf32, #tpu.memory_space<hbm>>) target(%arg32 : memref<512x16xf32, #tpu.memory_space<vmem>>) offsets(%dma_start3A_39 : memref<512xi32, #tpu.memory_space<vmem>>) semaphore(%arg34 : memref<!tpu.dma_semaphore, #tpu.memory_space<semaphore_mem>>)
    %dma_wait3A_43 = arith.constant 2 : i32
    %dma_wait3A_44 = arith.constant 0 : i32
    %dma_wait3A_45 = tpu.memref_slice %arg30[%dma_wait3A_43, %dma_wait3A_44] : memref<26x512xi32, #tpu.memory_space<vmem>> -> memref<1x512xi32, #tpu.memory_space<vmem>>
    %dma_wait3A_46 = tpu.memref_squeeze %dma_wait3A_45 : memref<1x512xi32, #tpu.memory_space<vmem>> -> memref<512xi32, #tpu.memory_space<vmem>>
    %dma_wait3A_47 = arith.constant 0 : i32
    %dma_wait3A_48 = arith.constant 0 : i32
    %dma_wait3A_49 = tpu.memref_slice %arg5[%dma_wait3A_47, %dma_wait3A_48] : memref<102400x16xf32, #tpu.memory_space<hbm>> -> memref<102400x16xf32, #tpu.memory_space<hbm>>
    tpu.wait_indirect_dma semaphore(%arg33 : memref<!tpu.dma_semaphore, #tpu.memory_space<semaphore_mem>>) src(%dma_wait3A_49 : memref<102400x16xf32, #tpu.memory_space<hbm>>) dst(%arg31 : memref<512x16xf32, #tpu.memory_space<vmem>>)
    "tpu.region"() ({
      %run_scoped3A = tpu.sem_alloc : memref<!tpu.dma_semaphore, #tpu.memory_space<semaphore_mem>>
      %dma_start3A_365 = arith.constant 32 : i32
      %dma_start3A_366 = tpu.memref_slice %arg29[%mul3A_2, %dma_start3A_365] : memref<16384x416xf32, #tpu.memory_space<hbm>> -> memref<512x16xf32, #tpu.memory_space<hbm>>
      %dma_start3A_367 = arith.constant 32 : i32
      %dma_start3A_368 = tpu.memref_slice %arg29[%mul3A_2, %dma_start3A_367] : memref<16384x416xf32, #tpu.memory_space<hbm>> -> memref<512x16xf32, #tpu.memory_space<hbm>>
      tpu.enqueue_dma source(%arg31 : memref<512x16xf32, #tpu.memory_space<vmem>>) target(%dma_start3A_368 : memref<512x16xf32, #tpu.memory_space<hbm>>) target_semaphore(%run_scoped3A : memref<!tpu.dma_semaphore, #tpu.memory_space<semaphore_mem>>)
      %dma_wait3A_369 = arith.constant 32 : i32
      %dma_wait3A_370 = tpu.memref_slice %arg29[%mul3A_2, %dma_wait3A_369] : memref<16384x416xf32, #tpu.memory_space<hbm>> -> memref<512x16xf32, #tpu.memory_space<hbm>>
      %dma_wait3A_371 = arith.constant 32 : i32
      %dma_wait3A_372 = tpu.memref_slice %arg29[%mul3A_2, %dma_wait3A_371] : memref<16384x416xf32, #tpu.memory_space<hbm>> -> memref<512x16xf32, #tpu.memory_space<hbm>>
      tpu.wait_dma2 semaphore(%run_scoped3A : memref<!tpu.dma_semaphore, #tpu.memory_space<semaphore_mem>>) src(%arg31 : memref<512x16xf32, #tpu.memory_space<vmem>>) dst(%dma_wait3A_372 : memref<512x16xf32, #tpu.memory_space<hbm>>)
      tpu.yield
    }) : () -> ()
    %dma_start3A_50 = arith.constant 4 : i32
    %dma_start3A_51 = arith.constant 0 : i32
    %dma_start3A_52 = tpu.memref_slice %arg30[%dma_start3A_50, %dma_start3A_51] : memref<26x512xi32, #tpu.memory_space<vmem>> -> memref<1x512xi32, #tpu.memory_space<vmem>>
    %dma_start3A_53 = tpu.memref_squeeze %dma_start3A_52 : memref<1x512xi32, #tpu.memory_space<vmem>> -> memref<512xi32, #tpu.memory_space<vmem>>
    %dma_start3A_54 = arith.constant 0 : i32
    %dma_start3A_55 = arith.constant 0 : i32
    %dma_start3A_56 = tpu.memref_slice %arg7[%dma_start3A_54, %dma_start3A_55] : memref<102400x16xf32, #tpu.memory_space<hbm>> -> memref<102400x16xf32, #tpu.memory_space<hbm>>
    tpu.enqueue_indirect_dma source(%dma_start3A_56 : memref<102400x16xf32, #tpu.memory_space<hbm>>) target(%arg31 : memref<512x16xf32, #tpu.memory_space<vmem>>) offsets(%dma_start3A_53 : memref<512xi32, #tpu.memory_space<vmem>>) semaphore(%arg33 : memref<!tpu.dma_semaphore, #tpu.memory_space<semaphore_mem>>)
    %dma_wait3A_57 = arith.constant 3 : i32
    %dma_wait3A_58 = arith.constant 0 : i32
    %dma_wait3A_59 = tpu.memref_slice %arg30[%dma_wait3A_57, %dma_wait3A_58] : memref<26x512xi32, #tpu.memory_space<vmem>> -> memref<1x512xi32, #tpu.memory_space<vmem>>
    %dma_wait3A_60 = tpu.memref_squeeze %dma_wait3A_59 : memref<1x512xi32, #tpu.memory_space<vmem>> -> memref<512xi32, #tpu.memory_space<vmem>>
    %dma_wait3A_61 = arith.constant 0 : i32
    %dma_wait3A_62 = arith.constant 0 : i32
    %dma_wait3A_63 = tpu.memref_slice %arg6[%dma_wait3A_61, %dma_wait3A_62] : memref<102400x16xf32, #tpu.memory_space<hbm>> -> memref<102400x16xf32, #tpu.memory_space<hbm>>
    tpu.wait_indirect_dma semaphore(%arg34 : memref<!tpu.dma_semaphore, #tpu.memory_space<semaphore_mem>>) src(%dma_wait3A_63 : memref<102400x16xf32, #tpu.memory_space<hbm>>) dst(%arg32 : memref<512x16xf32, #tpu.memory_space<vmem>>)
    "tpu.region"() ({
      %run_scoped3A = tpu.sem_alloc : memref<!tpu.dma_semaphore, #tpu.memory_space<semaphore_mem>>
      %dma_start3A_365 = arith.constant 48 : i32
      %dma_start3A_366 = tpu.memref_slice %arg29[%mul3A_2, %dma_start3A_365] : memref<16384x416xf32, #tpu.memory_space<hbm>> -> memref<512x16xf32, #tpu.memory_space<hbm>>
      %dma_start3A_367 = arith.constant 48 : i32
      %dma_start3A_368 = tpu.memref_slice %arg29[%mul3A_2, %dma_start3A_367] : memref<16384x416xf32, #tpu.memory_space<hbm>> -> memref<512x16xf32, #tpu.memory_space<hbm>>
      tpu.enqueue_dma source(%arg32 : memref<512x16xf32, #tpu.memory_space<vmem>>) target(%dma_start3A_368 : memref<512x16xf32, #tpu.memory_space<hbm>>) target_semaphore(%run_scoped3A : memref<!tpu.dma_semaphore, #tpu.memory_space<semaphore_mem>>)
      %dma_wait3A_369 = arith.constant 48 : i32
      %dma_wait3A_370 = tpu.memref_slice %arg29[%mul3A_2, %dma_wait3A_369] : memref<16384x416xf32, #tpu.memory_space<hbm>> -> memref<512x16xf32, #tpu.memory_space<hbm>>
      %dma_wait3A_371 = arith.constant 48 : i32
      %dma_wait3A_372 = tpu.memref_slice %arg29[%mul3A_2, %dma_wait3A_371] : memref<16384x416xf32, #tpu.memory_space<hbm>> -> memref<512x16xf32, #tpu.memory_space<hbm>>
      tpu.wait_dma2 semaphore(%run_scoped3A : memref<!tpu.dma_semaphore, #tpu.memory_space<semaphore_mem>>) src(%arg32 : memref<512x16xf32, #tpu.memory_space<vmem>>) dst(%dma_wait3A_372 : memref<512x16xf32, #tpu.memory_space<hbm>>)
      tpu.yield
    }) : () -> ()
    %dma_start3A_64 = arith.constant 5 : i32
    %dma_start3A_65 = arith.constant 0 : i32
    %dma_start3A_66 = tpu.memref_slice %arg30[%dma_start3A_64, %dma_start3A_65] : memref<26x512xi32, #tpu.memory_space<vmem>> -> memref<1x512xi32, #tpu.memory_space<vmem>>
    %dma_start3A_67 = tpu.memref_squeeze %dma_start3A_66 : memref<1x512xi32, #tpu.memory_space<vmem>> -> memref<512xi32, #tpu.memory_space<vmem>>
    %dma_start3A_68 = arith.constant 0 : i32
    %dma_start3A_69 = arith.constant 0 : i32
    %dma_start3A_70 = tpu.memref_slice %arg8[%dma_start3A_68, %dma_start3A_69] : memref<102400x16xf32, #tpu.memory_space<hbm>> -> memref<102400x16xf32, #tpu.memory_space<hbm>>
    tpu.enqueue_indirect_dma source(%dma_start3A_70 : memref<102400x16xf32, #tpu.memory_space<hbm>>) target(%arg32 : memref<512x16xf32, #tpu.memory_space<vmem>>) offsets(%dma_start3A_67 : memref<512xi32, #tpu.memory_space<vmem>>) semaphore(%arg34 : memref<!tpu.dma_semaphore, #tpu.memory_space<semaphore_mem>>)
    %dma_wait3A_71 = arith.constant 4 : i32
    %dma_wait3A_72 = arith.constant 0 : i32
    %dma_wait3A_73 = tpu.memref_slice %arg30[%dma_wait3A_71, %dma_wait3A_72] : memref<26x512xi32, #tpu.memory_space<vmem>> -> memref<1x512xi32, #tpu.memory_space<vmem>>
    %dma_wait3A_74 = tpu.memref_squeeze %dma_wait3A_73 : memref<1x512xi32, #tpu.memory_space<vmem>> -> memref<512xi32, #tpu.memory_space<vmem>>
    %dma_wait3A_75 = arith.constant 0 : i32
    %dma_wait3A_76 = arith.constant 0 : i32
    %dma_wait3A_77 = tpu.memref_slice %arg7[%dma_wait3A_75, %dma_wait3A_76] : memref<102400x16xf32, #tpu.memory_space<hbm>> -> memref<102400x16xf32, #tpu.memory_space<hbm>>
    tpu.wait_indirect_dma semaphore(%arg33 : memref<!tpu.dma_semaphore, #tpu.memory_space<semaphore_mem>>) src(%dma_wait3A_77 : memref<102400x16xf32, #tpu.memory_space<hbm>>) dst(%arg31 : memref<512x16xf32, #tpu.memory_space<vmem>>)
    "tpu.region"() ({
      %run_scoped3A = tpu.sem_alloc : memref<!tpu.dma_semaphore, #tpu.memory_space<semaphore_mem>>
      %dma_start3A_365 = arith.constant 64 : i32
      %dma_start3A_366 = tpu.memref_slice %arg29[%mul3A_2, %dma_start3A_365] : memref<16384x416xf32, #tpu.memory_space<hbm>> -> memref<512x16xf32, #tpu.memory_space<hbm>>
      %dma_start3A_367 = arith.constant 64 : i32
      %dma_start3A_368 = tpu.memref_slice %arg29[%mul3A_2, %dma_start3A_367] : memref<16384x416xf32, #tpu.memory_space<hbm>> -> memref<512x16xf32, #tpu.memory_space<hbm>>
      tpu.enqueue_dma source(%arg31 : memref<512x16xf32, #tpu.memory_space<vmem>>) target(%dma_start3A_368 : memref<512x16xf32, #tpu.memory_space<hbm>>) target_semaphore(%run_scoped3A : memref<!tpu.dma_semaphore, #tpu.memory_space<semaphore_mem>>)
      %dma_wait3A_369 = arith.constant 64 : i32
      %dma_wait3A_370 = tpu.memref_slice %arg29[%mul3A_2, %dma_wait3A_369] : memref<16384x416xf32, #tpu.memory_space<hbm>> -> memref<512x16xf32, #tpu.memory_space<hbm>>
      %dma_wait3A_371 = arith.constant 64 : i32
      %dma_wait3A_372 = tpu.memref_slice %arg29[%mul3A_2, %dma_wait3A_371] : memref<16384x416xf32, #tpu.memory_space<hbm>> -> memref<512x16xf32, #tpu.memory_space<hbm>>
      tpu.wait_dma2 semaphore(%run_scoped3A : memref<!tpu.dma_semaphore, #tpu.memory_space<semaphore_mem>>) src(%arg31 : memref<512x16xf32, #tpu.memory_space<vmem>>) dst(%dma_wait3A_372 : memref<512x16xf32, #tpu.memory_space<hbm>>)
      tpu.yield
    }) : () -> ()
    %dma_start3A_78 = arith.constant 6 : i32
    %dma_start3A_79 = arith.constant 0 : i32
    %dma_start3A_80 = tpu.memref_slice %arg30[%dma_start3A_78, %dma_start3A_79] : memref<26x512xi32, #tpu.memory_space<vmem>> -> memref<1x512xi32, #tpu.memory_space<vmem>>
    %dma_start3A_81 = tpu.memref_squeeze %dma_start3A_80 : memref<1x512xi32, #tpu.memory_space<vmem>> -> memref<512xi32, #tpu.memory_space<vmem>>
    %dma_start3A_82 = arith.constant 0 : i32
    %dma_start3A_83 = arith.constant 0 : i32
    %dma_start3A_84 = tpu.memref_slice %arg9[%dma_start3A_82, %dma_start3A_83] : memref<102400x16xf32, #tpu.memory_space<hbm>> -> memref<102400x16xf32, #tpu.memory_space<hbm>>
    tpu.enqueue_indirect_dma source(%dma_start3A_84 : memref<102400x16xf32, #tpu.memory_space<hbm>>) target(%arg31 : memref<512x16xf32, #tpu.memory_space<vmem>>) offsets(%dma_start3A_81 : memref<512xi32, #tpu.memory_space<vmem>>) semaphore(%arg33 : memref<!tpu.dma_semaphore, #tpu.memory_space<semaphore_mem>>)
    %dma_wait3A_85 = arith.constant 5 : i32
    %dma_wait3A_86 = arith.constant 0 : i32
    %dma_wait3A_87 = tpu.memref_slice %arg30[%dma_wait3A_85, %dma_wait3A_86] : memref<26x512xi32, #tpu.memory_space<vmem>> -> memref<1x512xi32, #tpu.memory_space<vmem>>
    %dma_wait3A_88 = tpu.memref_squeeze %dma_wait3A_87 : memref<1x512xi32, #tpu.memory_space<vmem>> -> memref<512xi32, #tpu.memory_space<vmem>>
    %dma_wait3A_89 = arith.constant 0 : i32
    %dma_wait3A_90 = arith.constant 0 : i32
    %dma_wait3A_91 = tpu.memref_slice %arg8[%dma_wait3A_89, %dma_wait3A_90] : memref<102400x16xf32, #tpu.memory_space<hbm>> -> memref<102400x16xf32, #tpu.memory_space<hbm>>
    tpu.wait_indirect_dma semaphore(%arg34 : memref<!tpu.dma_semaphore, #tpu.memory_space<semaphore_mem>>) src(%dma_wait3A_91 : memref<102400x16xf32, #tpu.memory_space<hbm>>) dst(%arg32 : memref<512x16xf32, #tpu.memory_space<vmem>>)
    "tpu.region"() ({
      %run_scoped3A = tpu.sem_alloc : memref<!tpu.dma_semaphore, #tpu.memory_space<semaphore_mem>>
      %dma_start3A_365 = arith.constant 80 : i32
      %dma_start3A_366 = tpu.memref_slice %arg29[%mul3A_2, %dma_start3A_365] : memref<16384x416xf32, #tpu.memory_space<hbm>> -> memref<512x16xf32, #tpu.memory_space<hbm>>
      %dma_start3A_367 = arith.constant 80 : i32
      %dma_start3A_368 = tpu.memref_slice %arg29[%mul3A_2, %dma_start3A_367] : memref<16384x416xf32, #tpu.memory_space<hbm>> -> memref<512x16xf32, #tpu.memory_space<hbm>>
      tpu.enqueue_dma source(%arg32 : memref<512x16xf32, #tpu.memory_space<vmem>>) target(%dma_start3A_368 : memref<512x16xf32, #tpu.memory_space<hbm>>) target_semaphore(%run_scoped3A : memref<!tpu.dma_semaphore, #tpu.memory_space<semaphore_mem>>)
      %dma_wait3A_369 = arith.constant 80 : i32
      %dma_wait3A_370 = tpu.memref_slice %arg29[%mul3A_2, %dma_wait3A_369] : memref<16384x416xf32, #tpu.memory_space<hbm>> -> memref<512x16xf32, #tpu.memory_space<hbm>>
      %dma_wait3A_371 = arith.constant 80 : i32
      %dma_wait3A_372 = tpu.memref_slice %arg29[%mul3A_2, %dma_wait3A_371] : memref<16384x416xf32, #tpu.memory_space<hbm>> -> memref<512x16xf32, #tpu.memory_space<hbm>>
      tpu.wait_dma2 semaphore(%run_scoped3A : memref<!tpu.dma_semaphore, #tpu.memory_space<semaphore_mem>>) src(%arg32 : memref<512x16xf32, #tpu.memory_space<vmem>>) dst(%dma_wait3A_372 : memref<512x16xf32, #tpu.memory_space<hbm>>)
      tpu.yield
    }) : () -> ()
    %dma_start3A_92 = arith.constant 7 : i32
    %dma_start3A_93 = arith.constant 0 : i32
    %dma_start3A_94 = tpu.memref_slice %arg30[%dma_start3A_92, %dma_start3A_93] : memref<26x512xi32, #tpu.memory_space<vmem>> -> memref<1x512xi32, #tpu.memory_space<vmem>>
    %dma_start3A_95 = tpu.memref_squeeze %dma_start3A_94 : memref<1x512xi32, #tpu.memory_space<vmem>> -> memref<512xi32, #tpu.memory_space<vmem>>
    %dma_start3A_96 = arith.constant 0 : i32
    %dma_start3A_97 = arith.constant 0 : i32
    %dma_start3A_98 = tpu.memref_slice %arg10[%dma_start3A_96, %dma_start3A_97] : memref<102400x16xf32, #tpu.memory_space<hbm>> -> memref<102400x16xf32, #tpu.memory_space<hbm>>
    tpu.enqueue_indirect_dma source(%dma_start3A_98 : memref<102400x16xf32, #tpu.memory_space<hbm>>) target(%arg32 : memref<512x16xf32, #tpu.memory_space<vmem>>) offsets(%dma_start3A_95 : memref<512xi32, #tpu.memory_space<vmem>>) semaphore(%arg34 : memref<!tpu.dma_semaphore, #tpu.memory_space<semaphore_mem>>)
    %dma_wait3A_99 = arith.constant 6 : i32
    %dma_wait3A_100 = arith.constant 0 : i32
    %dma_wait3A_101 = tpu.memref_slice %arg30[%dma_wait3A_99, %dma_wait3A_100] : memref<26x512xi32, #tpu.memory_space<vmem>> -> memref<1x512xi32, #tpu.memory_space<vmem>>
    %dma_wait3A_102 = tpu.memref_squeeze %dma_wait3A_101 : memref<1x512xi32, #tpu.memory_space<vmem>> -> memref<512xi32, #tpu.memory_space<vmem>>
    %dma_wait3A_103 = arith.constant 0 : i32
    %dma_wait3A_104 = arith.constant 0 : i32
    %dma_wait3A_105 = tpu.memref_slice %arg9[%dma_wait3A_103, %dma_wait3A_104] : memref<102400x16xf32, #tpu.memory_space<hbm>> -> memref<102400x16xf32, #tpu.memory_space<hbm>>
    tpu.wait_indirect_dma semaphore(%arg33 : memref<!tpu.dma_semaphore, #tpu.memory_space<semaphore_mem>>) src(%dma_wait3A_105 : memref<102400x16xf32, #tpu.memory_space<hbm>>) dst(%arg31 : memref<512x16xf32, #tpu.memory_space<vmem>>)
    "tpu.region"() ({
      %run_scoped3A = tpu.sem_alloc : memref<!tpu.dma_semaphore, #tpu.memory_space<semaphore_mem>>
      %dma_start3A_365 = arith.constant 96 : i32
      %dma_start3A_366 = tpu.memref_slice %arg29[%mul3A_2, %dma_start3A_365] : memref<16384x416xf32, #tpu.memory_space<hbm>> -> memref<512x16xf32, #tpu.memory_space<hbm>>
      %dma_start3A_367 = arith.constant 96 : i32
      %dma_start3A_368 = tpu.memref_slice %arg29[%mul3A_2, %dma_start3A_367] : memref<16384x416xf32, #tpu.memory_space<hbm>> -> memref<512x16xf32, #tpu.memory_space<hbm>>
      tpu.enqueue_dma source(%arg31 : memref<512x16xf32, #tpu.memory_space<vmem>>) target(%dma_start3A_368 : memref<512x16xf32, #tpu.memory_space<hbm>>) target_semaphore(%run_scoped3A : memref<!tpu.dma_semaphore, #tpu.memory_space<semaphore_mem>>)
      %dma_wait3A_369 = arith.constant 96 : i32
      %dma_wait3A_370 = tpu.memref_slice %arg29[%mul3A_2, %dma_wait3A_369] : memref<16384x416xf32, #tpu.memory_space<hbm>> -> memref<512x16xf32, #tpu.memory_space<hbm>>
      %dma_wait3A_371 = arith.constant 96 : i32
      %dma_wait3A_372 = tpu.memref_slice %arg29[%mul3A_2, %dma_wait3A_371] : memref<16384x416xf32, #tpu.memory_space<hbm>> -> memref<512x16xf32, #tpu.memory_space<hbm>>
      tpu.wait_dma2 semaphore(%run_scoped3A : memref<!tpu.dma_semaphore, #tpu.memory_space<semaphore_mem>>) src(%arg31 : memref<512x16xf32, #tpu.memory_space<vmem>>) dst(%dma_wait3A_372 : memref<512x16xf32, #tpu.memory_space<hbm>>)
      tpu.yield
    }) : () -> ()
    %dma_start3A_106 = arith.constant 8 : i32
    %dma_start3A_107 = arith.constant 0 : i32
    %dma_start3A_108 = tpu.memref_slice %arg30[%dma_start3A_106, %dma_start3A_107] : memref<26x512xi32, #tpu.memory_space<vmem>> -> memref<1x512xi32, #tpu.memory_space<vmem>>
    %dma_start3A_109 = tpu.memref_squeeze %dma_start3A_108 : memref<1x512xi32, #tpu.memory_space<vmem>> -> memref<512xi32, #tpu.memory_space<vmem>>
    %dma_start3A_110 = arith.constant 0 : i32
    %dma_start3A_111 = arith.constant 0 : i32
    %dma_start3A_112 = tpu.memref_slice %arg11[%dma_start3A_110, %dma_start3A_111] : memref<102400x16xf32, #tpu.memory_space<hbm>> -> memref<102400x16xf32, #tpu.memory_space<hbm>>
    tpu.enqueue_indirect_dma source(%dma_start3A_112 : memref<102400x16xf32, #tpu.memory_space<hbm>>) target(%arg31 : memref<512x16xf32, #tpu.memory_space<vmem>>) offsets(%dma_start3A_109 : memref<512xi32, #tpu.memory_space<vmem>>) semaphore(%arg33 : memref<!tpu.dma_semaphore, #tpu.memory_space<semaphore_mem>>)
    %dma_wait3A_113 = arith.constant 7 : i32
    %dma_wait3A_114 = arith.constant 0 : i32
    %dma_wait3A_115 = tpu.memref_slice %arg30[%dma_wait3A_113, %dma_wait3A_114] : memref<26x512xi32, #tpu.memory_space<vmem>> -> memref<1x512xi32, #tpu.memory_space<vmem>>
    %dma_wait3A_116 = tpu.memref_squeeze %dma_wait3A_115 : memref<1x512xi32, #tpu.memory_space<vmem>> -> memref<512xi32, #tpu.memory_space<vmem>>
    %dma_wait3A_117 = arith.constant 0 : i32
    %dma_wait3A_118 = arith.constant 0 : i32
    %dma_wait3A_119 = tpu.memref_slice %arg10[%dma_wait3A_117, %dma_wait3A_118] : memref<102400x16xf32, #tpu.memory_space<hbm>> -> memref<102400x16xf32, #tpu.memory_space<hbm>>
    tpu.wait_indirect_dma semaphore(%arg34 : memref<!tpu.dma_semaphore, #tpu.memory_space<semaphore_mem>>) src(%dma_wait3A_119 : memref<102400x16xf32, #tpu.memory_space<hbm>>) dst(%arg32 : memref<512x16xf32, #tpu.memory_space<vmem>>)
    "tpu.region"() ({
      %run_scoped3A = tpu.sem_alloc : memref<!tpu.dma_semaphore, #tpu.memory_space<semaphore_mem>>
      %dma_start3A_365 = arith.constant 112 : i32
      %dma_start3A_366 = tpu.memref_slice %arg29[%mul3A_2, %dma_start3A_365] : memref<16384x416xf32, #tpu.memory_space<hbm>> -> memref<512x16xf32, #tpu.memory_space<hbm>>
      %dma_start3A_367 = arith.constant 112 : i32
      %dma_start3A_368 = tpu.memref_slice %arg29[%mul3A_2, %dma_start3A_367] : memref<16384x416xf32, #tpu.memory_space<hbm>> -> memref<512x16xf32, #tpu.memory_space<hbm>>
      tpu.enqueue_dma source(%arg32 : memref<512x16xf32, #tpu.memory_space<vmem>>) target(%dma_start3A_368 : memref<512x16xf32, #tpu.memory_space<hbm>>) target_semaphore(%run_scoped3A : memref<!tpu.dma_semaphore, #tpu.memory_space<semaphore_mem>>)
      %dma_wait3A_369 = arith.constant 112 : i32
      %dma_wait3A_370 = tpu.memref_slice %arg29[%mul3A_2, %dma_wait3A_369] : memref<16384x416xf32, #tpu.memory_space<hbm>> -> memref<512x16xf32, #tpu.memory_space<hbm>>
      %dma_wait3A_371 = arith.constant 112 : i32
      %dma_wait3A_372 = tpu.memref_slice %arg29[%mul3A_2, %dma_wait3A_371] : memref<16384x416xf32, #tpu.memory_space<hbm>> -> memref<512x16xf32, #tpu.memory_space<hbm>>
      tpu.wait_dma2 semaphore(%run_scoped3A : memref<!tpu.dma_semaphore, #tpu.memory_space<semaphore_mem>>) src(%arg32 : memref<512x16xf32, #tpu.memory_space<vmem>>) dst(%dma_wait3A_372 : memref<512x16xf32, #tpu.memory_space<hbm>>)
      tpu.yield
    }) : () -> ()
    %dma_start3A_120 = arith.constant 9 : i32
    %dma_start3A_121 = arith.constant 0 : i32
    %dma_start3A_122 = tpu.memref_slice %arg30[%dma_start3A_120, %dma_start3A_121] : memref<26x512xi32, #tpu.memory_space<vmem>> -> memref<1x512xi32, #tpu.memory_space<vmem>>
    %dma_start3A_123 = tpu.memref_squeeze %dma_start3A_122 : memref<1x512xi32, #tpu.memory_space<vmem>> -> memref<512xi32, #tpu.memory_space<vmem>>
    %dma_start3A_124 = arith.constant 0 : i32
    %dma_start3A_125 = arith.constant 0 : i32
    %dma_start3A_126 = tpu.memref_slice %arg12[%dma_start3A_124, %dma_start3A_125] : memref<102400x16xf32, #tpu.memory_space<hbm>> -> memref<102400x16xf32, #tpu.memory_space<hbm>>
    tpu.enqueue_indirect_dma source(%dma_start3A_126 : memref<102400x16xf32, #tpu.memory_space<hbm>>) target(%arg32 : memref<512x16xf32, #tpu.memory_space<vmem>>) offsets(%dma_start3A_123 : memref<512xi32, #tpu.memory_space<vmem>>) semaphore(%arg34 : memref<!tpu.dma_semaphore, #tpu.memory_space<semaphore_mem>>)
    %dma_wait3A_127 = arith.constant 8 : i32
    %dma_wait3A_128 = arith.constant 0 : i32
    %dma_wait3A_129 = tpu.memref_slice %arg30[%dma_wait3A_127, %dma_wait3A_128] : memref<26x512xi32, #tpu.memory_space<vmem>> -> memref<1x512xi32, #tpu.memory_space<vmem>>
    %dma_wait3A_130 = tpu.memref_squeeze %dma_wait3A_129 : memref<1x512xi32, #tpu.memory_space<vmem>> -> memref<512xi32, #tpu.memory_space<vmem>>
    %dma_wait3A_131 = arith.constant 0 : i32
    %dma_wait3A_132 = arith.constant 0 : i32
    %dma_wait3A_133 = tpu.memref_slice %arg11[%dma_wait3A_131, %dma_wait3A_132] : memref<102400x16xf32, #tpu.memory_space<hbm>> -> memref<102400x16xf32, #tpu.memory_space<hbm>>
    tpu.wait_indirect_dma semaphore(%arg33 : memref<!tpu.dma_semaphore, #tpu.memory_space<semaphore_mem>>) src(%dma_wait3A_133 : memref<102400x16xf32, #tpu.memory_space<hbm>>) dst(%arg31 : memref<512x16xf32, #tpu.memory_space<vmem>>)
    "tpu.region"() ({
      %run_scoped3A = tpu.sem_alloc : memref<!tpu.dma_semaphore, #tpu.memory_space<semaphore_mem>>
      %dma_start3A_365 = arith.constant 128 : i32
      %dma_start3A_366 = tpu.memref_slice %arg29[%mul3A_2, %dma_start3A_365] : memref<16384x416xf32, #tpu.memory_space<hbm>> -> memref<512x16xf32, #tpu.memory_space<hbm>>
      %dma_start3A_367 = arith.constant 128 : i32
      %dma_start3A_368 = tpu.memref_slice %arg29[%mul3A_2, %dma_start3A_367] : memref<16384x416xf32, #tpu.memory_space<hbm>> -> memref<512x16xf32, #tpu.memory_space<hbm>>
      tpu.enqueue_dma source(%arg31 : memref<512x16xf32, #tpu.memory_space<vmem>>) target(%dma_start3A_368 : memref<512x16xf32, #tpu.memory_space<hbm>>) target_semaphore(%run_scoped3A : memref<!tpu.dma_semaphore, #tpu.memory_space<semaphore_mem>>)
      %dma_wait3A_369 = arith.constant 128 : i32
      %dma_wait3A_370 = tpu.memref_slice %arg29[%mul3A_2, %dma_wait3A_369] : memref<16384x416xf32, #tpu.memory_space<hbm>> -> memref<512x16xf32, #tpu.memory_space<hbm>>
      %dma_wait3A_371 = arith.constant 128 : i32
      %dma_wait3A_372 = tpu.memref_slice %arg29[%mul3A_2, %dma_wait3A_371] : memref<16384x416xf32, #tpu.memory_space<hbm>> -> memref<512x16xf32, #tpu.memory_space<hbm>>
      tpu.wait_dma2 semaphore(%run_scoped3A : memref<!tpu.dma_semaphore, #tpu.memory_space<semaphore_mem>>) src(%arg31 : memref<512x16xf32, #tpu.memory_space<vmem>>) dst(%dma_wait3A_372 : memref<512x16xf32, #tpu.memory_space<hbm>>)
      tpu.yield
    }) : () -> ()
    %dma_start3A_134 = arith.constant 10 : i32
    %dma_start3A_135 = arith.constant 0 : i32
    %dma_start3A_136 = tpu.memref_slice %arg30[%dma_start3A_134, %dma_start3A_135] : memref<26x512xi32, #tpu.memory_space<vmem>> -> memref<1x512xi32, #tpu.memory_space<vmem>>
    %dma_start3A_137 = tpu.memref_squeeze %dma_start3A_136 : memref<1x512xi32, #tpu.memory_space<vmem>> -> memref<512xi32, #tpu.memory_space<vmem>>
    %dma_start3A_138 = arith.constant 0 : i32
    %dma_start3A_139 = arith.constant 0 : i32
    %dma_start3A_140 = tpu.memref_slice %arg13[%dma_start3A_138, %dma_start3A_139] : memref<102400x16xf32, #tpu.memory_space<hbm>> -> memref<102400x16xf32, #tpu.memory_space<hbm>>
    tpu.enqueue_indirect_dma source(%dma_start3A_140 : memref<102400x16xf32, #tpu.memory_space<hbm>>) target(%arg31 : memref<512x16xf32, #tpu.memory_space<vmem>>) offsets(%dma_start3A_137 : memref<512xi32, #tpu.memory_space<vmem>>) semaphore(%arg33 : memref<!tpu.dma_semaphore, #tpu.memory_space<semaphore_mem>>)
    %dma_wait3A_141 = arith.constant 9 : i32
    %dma_wait3A_142 = arith.constant 0 : i32
    %dma_wait3A_143 = tpu.memref_slice %arg30[%dma_wait3A_141, %dma_wait3A_142] : memref<26x512xi32, #tpu.memory_space<vmem>> -> memref<1x512xi32, #tpu.memory_space<vmem>>
    %dma_wait3A_144 = tpu.memref_squeeze %dma_wait3A_143 : memref<1x512xi32, #tpu.memory_space<vmem>> -> memref<512xi32, #tpu.memory_space<vmem>>
    %dma_wait3A_145 = arith.constant 0 : i32
    %dma_wait3A_146 = arith.constant 0 : i32
    %dma_wait3A_147 = tpu.memref_slice %arg12[%dma_wait3A_145, %dma_wait3A_146] : memref<102400x16xf32, #tpu.memory_space<hbm>> -> memref<102400x16xf32, #tpu.memory_space<hbm>>
    tpu.wait_indirect_dma semaphore(%arg34 : memref<!tpu.dma_semaphore, #tpu.memory_space<semaphore_mem>>) src(%dma_wait3A_147 : memref<102400x16xf32, #tpu.memory_space<hbm>>) dst(%arg32 : memref<512x16xf32, #tpu.memory_space<vmem>>)
    "tpu.region"() ({
      %run_scoped3A = tpu.sem_alloc : memref<!tpu.dma_semaphore, #tpu.memory_space<semaphore_mem>>
      %dma_start3A_365 = arith.constant 144 : i32
      %dma_start3A_366 = tpu.memref_slice %arg29[%mul3A_2, %dma_start3A_365] : memref<16384x416xf32, #tpu.memory_space<hbm>> -> memref<512x16xf32, #tpu.memory_space<hbm>>
      %dma_start3A_367 = arith.constant 144 : i32
      %dma_start3A_368 = tpu.memref_slice %arg29[%mul3A_2, %dma_start3A_367] : memref<16384x416xf32, #tpu.memory_space<hbm>> -> memref<512x16xf32, #tpu.memory_space<hbm>>
      tpu.enqueue_dma source(%arg32 : memref<512x16xf32, #tpu.memory_space<vmem>>) target(%dma_start3A_368 : memref<512x16xf32, #tpu.memory_space<hbm>>) target_semaphore(%run_scoped3A : memref<!tpu.dma_semaphore, #tpu.memory_space<semaphore_mem>>)
      %dma_wait3A_369 = arith.constant 144 : i32
      %dma_wait3A_370 = tpu.memref_slice %arg29[%mul3A_2, %dma_wait3A_369] : memref<16384x416xf32, #tpu.memory_space<hbm>> -> memref<512x16xf32, #tpu.memory_space<hbm>>
      %dma_wait3A_371 = arith.constant 144 : i32
      %dma_wait3A_372 = tpu.memref_slice %arg29[%mul3A_2, %dma_wait3A_371] : memref<16384x416xf32, #tpu.memory_space<hbm>> -> memref<512x16xf32, #tpu.memory_space<hbm>>
      tpu.wait_dma2 semaphore(%run_scoped3A : memref<!tpu.dma_semaphore, #tpu.memory_space<semaphore_mem>>) src(%arg32 : memref<512x16xf32, #tpu.memory_space<vmem>>) dst(%dma_wait3A_372 : memref<512x16xf32, #tpu.memory_space<hbm>>)
      tpu.yield
    }) : () -> ()
    %dma_start3A_148 = arith.constant 11 : i32
    %dma_start3A_149 = arith.constant 0 : i32
    %dma_start3A_150 = tpu.memref_slice %arg30[%dma_start3A_148, %dma_start3A_149] : memref<26x512xi32, #tpu.memory_space<vmem>> -> memref<1x512xi32, #tpu.memory_space<vmem>>
    %dma_start3A_151 = tpu.memref_squeeze %dma_start3A_150 : memref<1x512xi32, #tpu.memory_space<vmem>> -> memref<512xi32, #tpu.memory_space<vmem>>
    %dma_start3A_152 = arith.constant 0 : i32
    %dma_start3A_153 = arith.constant 0 : i32
    %dma_start3A_154 = tpu.memref_slice %arg14[%dma_start3A_152, %dma_start3A_153] : memref<102400x16xf32, #tpu.memory_space<hbm>> -> memref<102400x16xf32, #tpu.memory_space<hbm>>
    tpu.enqueue_indirect_dma source(%dma_start3A_154 : memref<102400x16xf32, #tpu.memory_space<hbm>>) target(%arg32 : memref<512x16xf32, #tpu.memory_space<vmem>>) offsets(%dma_start3A_151 : memref<512xi32, #tpu.memory_space<vmem>>) semaphore(%arg34 : memref<!tpu.dma_semaphore, #tpu.memory_space<semaphore_mem>>)
    %dma_wait3A_155 = arith.constant 10 : i32
    %dma_wait3A_156 = arith.constant 0 : i32
    %dma_wait3A_157 = tpu.memref_slice %arg30[%dma_wait3A_155, %dma_wait3A_156] : memref<26x512xi32, #tpu.memory_space<vmem>> -> memref<1x512xi32, #tpu.memory_space<vmem>>
    %dma_wait3A_158 = tpu.memref_squeeze %dma_wait3A_157 : memref<1x512xi32, #tpu.memory_space<vmem>> -> memref<512xi32, #tpu.memory_space<vmem>>
    %dma_wait3A_159 = arith.constant 0 : i32
    %dma_wait3A_160 = arith.constant 0 : i32
    %dma_wait3A_161 = tpu.memref_slice %arg13[%dma_wait3A_159, %dma_wait3A_160] : memref<102400x16xf32, #tpu.memory_space<hbm>> -> memref<102400x16xf32, #tpu.memory_space<hbm>>
    tpu.wait_indirect_dma semaphore(%arg33 : memref<!tpu.dma_semaphore, #tpu.memory_space<semaphore_mem>>) src(%dma_wait3A_161 : memref<102400x16xf32, #tpu.memory_space<hbm>>) dst(%arg31 : memref<512x16xf32, #tpu.memory_space<vmem>>)
    "tpu.region"() ({
      %run_scoped3A = tpu.sem_alloc : memref<!tpu.dma_semaphore, #tpu.memory_space<semaphore_mem>>
      %dma_start3A_365 = arith.constant 160 : i32
      %dma_start3A_366 = tpu.memref_slice %arg29[%mul3A_2, %dma_start3A_365] : memref<16384x416xf32, #tpu.memory_space<hbm>> -> memref<512x16xf32, #tpu.memory_space<hbm>>
      %dma_start3A_367 = arith.constant 160 : i32
      %dma_start3A_368 = tpu.memref_slice %arg29[%mul3A_2, %dma_start3A_367] : memref<16384x416xf32, #tpu.memory_space<hbm>> -> memref<512x16xf32, #tpu.memory_space<hbm>>
      tpu.enqueue_dma source(%arg31 : memref<512x16xf32, #tpu.memory_space<vmem>>) target(%dma_start3A_368 : memref<512x16xf32, #tpu.memory_space<hbm>>) target_semaphore(%run_scoped3A : memref<!tpu.dma_semaphore, #tpu.memory_space<semaphore_mem>>)
      %dma_wait3A_369 = arith.constant 160 : i32
      %dma_wait3A_370 = tpu.memref_slice %arg29[%mul3A_2, %dma_wait3A_369] : memref<16384x416xf32, #tpu.memory_space<hbm>> -> memref<512x16xf32, #tpu.memory_space<hbm>>
      %dma_wait3A_371 = arith.constant 160 : i32
      %dma_wait3A_372 = tpu.memref_slice %arg29[%mul3A_2, %dma_wait3A_371] : memref<16384x416xf32, #tpu.memory_space<hbm>> -> memref<512x16xf32, #tpu.memory_space<hbm>>
      tpu.wait_dma2 semaphore(%run_scoped3A : memref<!tpu.dma_semaphore, #tpu.memory_space<semaphore_mem>>) src(%arg31 : memref<512x16xf32, #tpu.memory_space<vmem>>) dst(%dma_wait3A_372 : memref<512x16xf32, #tpu.memory_space<hbm>>)
      tpu.yield
    }) : () -> ()
    %dma_start3A_162 = arith.constant 12 : i32
    %dma_start3A_163 = arith.constant 0 : i32
    %dma_start3A_164 = tpu.memref_slice %arg30[%dma_start3A_162, %dma_start3A_163] : memref<26x512xi32, #tpu.memory_space<vmem>> -> memref<1x512xi32, #tpu.memory_space<vmem>>
    %dma_start3A_165 = tpu.memref_squeeze %dma_start3A_164 : memref<1x512xi32, #tpu.memory_space<vmem>> -> memref<512xi32, #tpu.memory_space<vmem>>
    %dma_start3A_166 = arith.constant 0 : i32
    %dma_start3A_167 = arith.constant 0 : i32
    %dma_start3A_168 = tpu.memref_slice %arg15[%dma_start3A_166, %dma_start3A_167] : memref<102400x16xf32, #tpu.memory_space<hbm>> -> memref<102400x16xf32, #tpu.memory_space<hbm>>
    tpu.enqueue_indirect_dma source(%dma_start3A_168 : memref<102400x16xf32, #tpu.memory_space<hbm>>) target(%arg31 : memref<512x16xf32, #tpu.memory_space<vmem>>) offsets(%dma_start3A_165 : memref<512xi32, #tpu.memory_space<vmem>>) semaphore(%arg33 : memref<!tpu.dma_semaphore, #tpu.memory_space<semaphore_mem>>)
    %dma_wait3A_169 = arith.constant 11 : i32
    %dma_wait3A_170 = arith.constant 0 : i32
    %dma_wait3A_171 = tpu.memref_slice %arg30[%dma_wait3A_169, %dma_wait3A_170] : memref<26x512xi32, #tpu.memory_space<vmem>> -> memref<1x512xi32, #tpu.memory_space<vmem>>
    %dma_wait3A_172 = tpu.memref_squeeze %dma_wait3A_171 : memref<1x512xi32, #tpu.memory_space<vmem>> -> memref<512xi32, #tpu.memory_space<vmem>>
    %dma_wait3A_173 = arith.constant 0 : i32
    %dma_wait3A_174 = arith.constant 0 : i32
    %dma_wait3A_175 = tpu.memref_slice %arg14[%dma_wait3A_173, %dma_wait3A_174] : memref<102400x16xf32, #tpu.memory_space<hbm>> -> memref<102400x16xf32, #tpu.memory_space<hbm>>
    tpu.wait_indirect_dma semaphore(%arg34 : memref<!tpu.dma_semaphore, #tpu.memory_space<semaphore_mem>>) src(%dma_wait3A_175 : memref<102400x16xf32, #tpu.memory_space<hbm>>) dst(%arg32 : memref<512x16xf32, #tpu.memory_space<vmem>>)
    "tpu.region"() ({
      %run_scoped3A = tpu.sem_alloc : memref<!tpu.dma_semaphore, #tpu.memory_space<semaphore_mem>>
      %dma_start3A_365 = arith.constant 176 : i32
      %dma_start3A_366 = tpu.memref_slice %arg29[%mul3A_2, %dma_start3A_365] : memref<16384x416xf32, #tpu.memory_space<hbm>> -> memref<512x16xf32, #tpu.memory_space<hbm>>
      %dma_start3A_367 = arith.constant 176 : i32
      %dma_start3A_368 = tpu.memref_slice %arg29[%mul3A_2, %dma_start3A_367] : memref<16384x416xf32, #tpu.memory_space<hbm>> -> memref<512x16xf32, #tpu.memory_space<hbm>>
      tpu.enqueue_dma source(%arg32 : memref<512x16xf32, #tpu.memory_space<vmem>>) target(%dma_start3A_368 : memref<512x16xf32, #tpu.memory_space<hbm>>) target_semaphore(%run_scoped3A : memref<!tpu.dma_semaphore, #tpu.memory_space<semaphore_mem>>)
      %dma_wait3A_369 = arith.constant 176 : i32
      %dma_wait3A_370 = tpu.memref_slice %arg29[%mul3A_2, %dma_wait3A_369] : memref<16384x416xf32, #tpu.memory_space<hbm>> -> memref<512x16xf32, #tpu.memory_space<hbm>>
      %dma_wait3A_371 = arith.constant 176 : i32
      %dma_wait3A_372 = tpu.memref_slice %arg29[%mul3A_2, %dma_wait3A_371] : memref<16384x416xf32, #tpu.memory_space<hbm>> -> memref<512x16xf32, #tpu.memory_space<hbm>>
      tpu.wait_dma2 semaphore(%run_scoped3A : memref<!tpu.dma_semaphore, #tpu.memory_space<semaphore_mem>>) src(%arg32 : memref<512x16xf32, #tpu.memory_space<vmem>>) dst(%dma_wait3A_372 : memref<512x16xf32, #tpu.memory_space<hbm>>)
      tpu.yield
    }) : () -> ()
    %dma_start3A_176 = arith.constant 13 : i32
    %dma_start3A_177 = arith.constant 0 : i32
    %dma_start3A_178 = tpu.memref_slice %arg30[%dma_start3A_176, %dma_start3A_177] : memref<26x512xi32, #tpu.memory_space<vmem>> -> memref<1x512xi32, #tpu.memory_space<vmem>>
    %dma_start3A_179 = tpu.memref_squeeze %dma_start3A_178 : memref<1x512xi32, #tpu.memory_space<vmem>> -> memref<512xi32, #tpu.memory_space<vmem>>
    %dma_start3A_180 = arith.constant 0 : i32
    %dma_start3A_181 = arith.constant 0 : i32
    %dma_start3A_182 = tpu.memref_slice %arg16[%dma_start3A_180, %dma_start3A_181] : memref<102400x16xf32, #tpu.memory_space<hbm>> -> memref<102400x16xf32, #tpu.memory_space<hbm>>
    tpu.enqueue_indirect_dma source(%dma_start3A_182 : memref<102400x16xf32, #tpu.memory_space<hbm>>) target(%arg32 : memref<512x16xf32, #tpu.memory_space<vmem>>) offsets(%dma_start3A_179 : memref<512xi32, #tpu.memory_space<vmem>>) semaphore(%arg34 : memref<!tpu.dma_semaphore, #tpu.memory_space<semaphore_mem>>)
    %dma_wait3A_183 = arith.constant 12 : i32
    %dma_wait3A_184 = arith.constant 0 : i32
    %dma_wait3A_185 = tpu.memref_slice %arg30[%dma_wait3A_183, %dma_wait3A_184] : memref<26x512xi32, #tpu.memory_space<vmem>> -> memref<1x512xi32, #tpu.memory_space<vmem>>
    %dma_wait3A_186 = tpu.memref_squeeze %dma_wait3A_185 : memref<1x512xi32, #tpu.memory_space<vmem>> -> memref<512xi32, #tpu.memory_space<vmem>>
    %dma_wait3A_187 = arith.constant 0 : i32
    %dma_wait3A_188 = arith.constant 0 : i32
    %dma_wait3A_189 = tpu.memref_slice %arg15[%dma_wait3A_187, %dma_wait3A_188] : memref<102400x16xf32, #tpu.memory_space<hbm>> -> memref<102400x16xf32, #tpu.memory_space<hbm>>
    tpu.wait_indirect_dma semaphore(%arg33 : memref<!tpu.dma_semaphore, #tpu.memory_space<semaphore_mem>>) src(%dma_wait3A_189 : memref<102400x16xf32, #tpu.memory_space<hbm>>) dst(%arg31 : memref<512x16xf32, #tpu.memory_space<vmem>>)
    "tpu.region"() ({
      %run_scoped3A = tpu.sem_alloc : memref<!tpu.dma_semaphore, #tpu.memory_space<semaphore_mem>>
      %dma_start3A_365 = arith.constant 192 : i32
      %dma_start3A_366 = tpu.memref_slice %arg29[%mul3A_2, %dma_start3A_365] : memref<16384x416xf32, #tpu.memory_space<hbm>> -> memref<512x16xf32, #tpu.memory_space<hbm>>
      %dma_start3A_367 = arith.constant 192 : i32
      %dma_start3A_368 = tpu.memref_slice %arg29[%mul3A_2, %dma_start3A_367] : memref<16384x416xf32, #tpu.memory_space<hbm>> -> memref<512x16xf32, #tpu.memory_space<hbm>>
      tpu.enqueue_dma source(%arg31 : memref<512x16xf32, #tpu.memory_space<vmem>>) target(%dma_start3A_368 : memref<512x16xf32, #tpu.memory_space<hbm>>) target_semaphore(%run_scoped3A : memref<!tpu.dma_semaphore, #tpu.memory_space<semaphore_mem>>)
      %dma_wait3A_369 = arith.constant 192 : i32
      %dma_wait3A_370 = tpu.memref_slice %arg29[%mul3A_2, %dma_wait3A_369] : memref<16384x416xf32, #tpu.memory_space<hbm>> -> memref<512x16xf32, #tpu.memory_space<hbm>>
      %dma_wait3A_371 = arith.constant 192 : i32
      %dma_wait3A_372 = tpu.memref_slice %arg29[%mul3A_2, %dma_wait3A_371] : memref<16384x416xf32, #tpu.memory_space<hbm>> -> memref<512x16xf32, #tpu.memory_space<hbm>>
      tpu.wait_dma2 semaphore(%run_scoped3A : memref<!tpu.dma_semaphore, #tpu.memory_space<semaphore_mem>>) src(%arg31 : memref<512x16xf32, #tpu.memory_space<vmem>>) dst(%dma_wait3A_372 : memref<512x16xf32, #tpu.memory_space<hbm>>)
      tpu.yield
    }) : () -> ()
    %dma_start3A_190 = arith.constant 14 : i32
    %dma_start3A_191 = arith.constant 0 : i32
    %dma_start3A_192 = tpu.memref_slice %arg30[%dma_start3A_190, %dma_start3A_191] : memref<26x512xi32, #tpu.memory_space<vmem>> -> memref<1x512xi32, #tpu.memory_space<vmem>>
    %dma_start3A_193 = tpu.memref_squeeze %dma_start3A_192 : memref<1x512xi32, #tpu.memory_space<vmem>> -> memref<512xi32, #tpu.memory_space<vmem>>
    %dma_start3A_194 = arith.constant 0 : i32
    %dma_start3A_195 = arith.constant 0 : i32
    %dma_start3A_196 = tpu.memref_slice %arg17[%dma_start3A_194, %dma_start3A_195] : memref<102400x16xf32, #tpu.memory_space<hbm>> -> memref<102400x16xf32, #tpu.memory_space<hbm>>
    tpu.enqueue_indirect_dma source(%dma_start3A_196 : memref<102400x16xf32, #tpu.memory_space<hbm>>) target(%arg31 : memref<512x16xf32, #tpu.memory_space<vmem>>) offsets(%dma_start3A_193 : memref<512xi32, #tpu.memory_space<vmem>>) semaphore(%arg33 : memref<!tpu.dma_semaphore, #tpu.memory_space<semaphore_mem>>)
    %dma_wait3A_197 = arith.constant 13 : i32
    %dma_wait3A_198 = arith.constant 0 : i32
    %dma_wait3A_199 = tpu.memref_slice %arg30[%dma_wait3A_197, %dma_wait3A_198] : memref<26x512xi32, #tpu.memory_space<vmem>> -> memref<1x512xi32, #tpu.memory_space<vmem>>
    %dma_wait3A_200 = tpu.memref_squeeze %dma_wait3A_199 : memref<1x512xi32, #tpu.memory_space<vmem>> -> memref<512xi32, #tpu.memory_space<vmem>>
    %dma_wait3A_201 = arith.constant 0 : i32
    %dma_wait3A_202 = arith.constant 0 : i32
    %dma_wait3A_203 = tpu.memref_slice %arg16[%dma_wait3A_201, %dma_wait3A_202] : memref<102400x16xf32, #tpu.memory_space<hbm>> -> memref<102400x16xf32, #tpu.memory_space<hbm>>
    tpu.wait_indirect_dma semaphore(%arg34 : memref<!tpu.dma_semaphore, #tpu.memory_space<semaphore_mem>>) src(%dma_wait3A_203 : memref<102400x16xf32, #tpu.memory_space<hbm>>) dst(%arg32 : memref<512x16xf32, #tpu.memory_space<vmem>>)
    "tpu.region"() ({
      %run_scoped3A = tpu.sem_alloc : memref<!tpu.dma_semaphore, #tpu.memory_space<semaphore_mem>>
      %dma_start3A_365 = arith.constant 208 : i32
      %dma_start3A_366 = tpu.memref_slice %arg29[%mul3A_2, %dma_start3A_365] : memref<16384x416xf32, #tpu.memory_space<hbm>> -> memref<512x16xf32, #tpu.memory_space<hbm>>
      %dma_start3A_367 = arith.constant 208 : i32
      %dma_start3A_368 = tpu.memref_slice %arg29[%mul3A_2, %dma_start3A_367] : memref<16384x416xf32, #tpu.memory_space<hbm>> -> memref<512x16xf32, #tpu.memory_space<hbm>>
      tpu.enqueue_dma source(%arg32 : memref<512x16xf32, #tpu.memory_space<vmem>>) target(%dma_start3A_368 : memref<512x16xf32, #tpu.memory_space<hbm>>) target_semaphore(%run_scoped3A : memref<!tpu.dma_semaphore, #tpu.memory_space<semaphore_mem>>)
      %dma_wait3A_369 = arith.constant 208 : i32
      %dma_wait3A_370 = tpu.memref_slice %arg29[%mul3A_2, %dma_wait3A_369] : memref<16384x416xf32, #tpu.memory_space<hbm>> -> memref<512x16xf32, #tpu.memory_space<hbm>>
      %dma_wait3A_371 = arith.constant 208 : i32
      %dma_wait3A_372 = tpu.memref_slice %arg29[%mul3A_2, %dma_wait3A_371] : memref<16384x416xf32, #tpu.memory_space<hbm>> -> memref<512x16xf32, #tpu.memory_space<hbm>>
      tpu.wait_dma2 semaphore(%run_scoped3A : memref<!tpu.dma_semaphore, #tpu.memory_space<semaphore_mem>>) src(%arg32 : memref<512x16xf32, #tpu.memory_space<vmem>>) dst(%dma_wait3A_372 : memref<512x16xf32, #tpu.memory_space<hbm>>)
      tpu.yield
    }) : () -> ()
    %dma_start3A_204 = arith.constant 15 : i32
    %dma_start3A_205 = arith.constant 0 : i32
    %dma_start3A_206 = tpu.memref_slice %arg30[%dma_start3A_204, %dma_start3A_205] : memref<26x512xi32, #tpu.memory_space<vmem>> -> memref<1x512xi32, #tpu.memory_space<vmem>>
    %dma_start3A_207 = tpu.memref_squeeze %dma_start3A_206 : memref<1x512xi32, #tpu.memory_space<vmem>> -> memref<512xi32, #tpu.memory_space<vmem>>
    %dma_start3A_208 = arith.constant 0 : i32
    %dma_start3A_209 = arith.constant 0 : i32
    %dma_start3A_210 = tpu.memref_slice %arg18[%dma_start3A_208, %dma_start3A_209] : memref<102400x16xf32, #tpu.memory_space<hbm>> -> memref<102400x16xf32, #tpu.memory_space<hbm>>
    tpu.enqueue_indirect_dma source(%dma_start3A_210 : memref<102400x16xf32, #tpu.memory_space<hbm>>) target(%arg32 : memref<512x16xf32, #tpu.memory_space<vmem>>) offsets(%dma_start3A_207 : memref<512xi32, #tpu.memory_space<vmem>>) semaphore(%arg34 : memref<!tpu.dma_semaphore, #tpu.memory_space<semaphore_mem>>)
    %dma_wait3A_211 = arith.constant 14 : i32
    %dma_wait3A_212 = arith.constant 0 : i32
    %dma_wait3A_213 = tpu.memref_slice %arg30[%dma_wait3A_211, %dma_wait3A_212] : memref<26x512xi32, #tpu.memory_space<vmem>> -> memref<1x512xi32, #tpu.memory_space<vmem>>
    %dma_wait3A_214 = tpu.memref_squeeze %dma_wait3A_213 : memref<1x512xi32, #tpu.memory_space<vmem>> -> memref<512xi32, #tpu.memory_space<vmem>>
    %dma_wait3A_215 = arith.constant 0 : i32
    %dma_wait3A_216 = arith.constant 0 : i32
    %dma_wait3A_217 = tpu.memref_slice %arg17[%dma_wait3A_215, %dma_wait3A_216] : memref<102400x16xf32, #tpu.memory_space<hbm>> -> memref<102400x16xf32, #tpu.memory_space<hbm>>
    tpu.wait_indirect_dma semaphore(%arg33 : memref<!tpu.dma_semaphore, #tpu.memory_space<semaphore_mem>>) src(%dma_wait3A_217 : memref<102400x16xf32, #tpu.memory_space<hbm>>) dst(%arg31 : memref<512x16xf32, #tpu.memory_space<vmem>>)
    "tpu.region"() ({
      %run_scoped3A = tpu.sem_alloc : memref<!tpu.dma_semaphore, #tpu.memory_space<semaphore_mem>>
      %dma_start3A_365 = arith.constant 224 : i32
      %dma_start3A_366 = tpu.memref_slice %arg29[%mul3A_2, %dma_start3A_365] : memref<16384x416xf32, #tpu.memory_space<hbm>> -> memref<512x16xf32, #tpu.memory_space<hbm>>
      %dma_start3A_367 = arith.constant 224 : i32
      %dma_start3A_368 = tpu.memref_slice %arg29[%mul3A_2, %dma_start3A_367] : memref<16384x416xf32, #tpu.memory_space<hbm>> -> memref<512x16xf32, #tpu.memory_space<hbm>>
      tpu.enqueue_dma source(%arg31 : memref<512x16xf32, #tpu.memory_space<vmem>>) target(%dma_start3A_368 : memref<512x16xf32, #tpu.memory_space<hbm>>) target_semaphore(%run_scoped3A : memref<!tpu.dma_semaphore, #tpu.memory_space<semaphore_mem>>)
      %dma_wait3A_369 = arith.constant 224 : i32
      %dma_wait3A_370 = tpu.memref_slice %arg29[%mul3A_2, %dma_wait3A_369] : memref<16384x416xf32, #tpu.memory_space<hbm>> -> memref<512x16xf32, #tpu.memory_space<hbm>>
      %dma_wait3A_371 = arith.constant 224 : i32
      %dma_wait3A_372 = tpu.memref_slice %arg29[%mul3A_2, %dma_wait3A_371] : memref<16384x416xf32, #tpu.memory_space<hbm>> -> memref<512x16xf32, #tpu.memory_space<hbm>>
      tpu.wait_dma2 semaphore(%run_scoped3A : memref<!tpu.dma_semaphore, #tpu.memory_space<semaphore_mem>>) src(%arg31 : memref<512x16xf32, #tpu.memory_space<vmem>>) dst(%dma_wait3A_372 : memref<512x16xf32, #tpu.memory_space<hbm>>)
      tpu.yield
    }) : () -> ()
    %dma_start3A_218 = arith.constant 16 : i32
    %dma_start3A_219 = arith.constant 0 : i32
    %dma_start3A_220 = tpu.memref_slice %arg30[%dma_start3A_218, %dma_start3A_219] : memref<26x512xi32, #tpu.memory_space<vmem>> -> memref<1x512xi32, #tpu.memory_space<vmem>>
    %dma_start3A_221 = tpu.memref_squeeze %dma_start3A_220 : memref<1x512xi32, #tpu.memory_space<vmem>> -> memref<512xi32, #tpu.memory_space<vmem>>
    %dma_start3A_222 = arith.constant 0 : i32
    %dma_start3A_223 = arith.constant 0 : i32
    %dma_start3A_224 = tpu.memref_slice %arg19[%dma_start3A_222, %dma_start3A_223] : memref<102400x16xf32, #tpu.memory_space<hbm>> -> memref<102400x16xf32, #tpu.memory_space<hbm>>
    tpu.enqueue_indirect_dma source(%dma_start3A_224 : memref<102400x16xf32, #tpu.memory_space<hbm>>) target(%arg31 : memref<512x16xf32, #tpu.memory_space<vmem>>) offsets(%dma_start3A_221 : memref<512xi32, #tpu.memory_space<vmem>>) semaphore(%arg33 : memref<!tpu.dma_semaphore, #tpu.memory_space<semaphore_mem>>)
    %dma_wait3A_225 = arith.constant 15 : i32
    %dma_wait3A_226 = arith.constant 0 : i32
    %dma_wait3A_227 = tpu.memref_slice %arg30[%dma_wait3A_225, %dma_wait3A_226] : memref<26x512xi32, #tpu.memory_space<vmem>> -> memref<1x512xi32, #tpu.memory_space<vmem>>
    %dma_wait3A_228 = tpu.memref_squeeze %dma_wait3A_227 : memref<1x512xi32, #tpu.memory_space<vmem>> -> memref<512xi32, #tpu.memory_space<vmem>>
    %dma_wait3A_229 = arith.constant 0 : i32
    %dma_wait3A_230 = arith.constant 0 : i32
    %dma_wait3A_231 = tpu.memref_slice %arg18[%dma_wait3A_229, %dma_wait3A_230] : memref<102400x16xf32, #tpu.memory_space<hbm>> -> memref<102400x16xf32, #tpu.memory_space<hbm>>
    tpu.wait_indirect_dma semaphore(%arg34 : memref<!tpu.dma_semaphore, #tpu.memory_space<semaphore_mem>>) src(%dma_wait3A_231 : memref<102400x16xf32, #tpu.memory_space<hbm>>) dst(%arg32 : memref<512x16xf32, #tpu.memory_space<vmem>>)
    "tpu.region"() ({
      %run_scoped3A = tpu.sem_alloc : memref<!tpu.dma_semaphore, #tpu.memory_space<semaphore_mem>>
      %dma_start3A_365 = arith.constant 240 : i32
      %dma_start3A_366 = tpu.memref_slice %arg29[%mul3A_2, %dma_start3A_365] : memref<16384x416xf32, #tpu.memory_space<hbm>> -> memref<512x16xf32, #tpu.memory_space<hbm>>
      %dma_start3A_367 = arith.constant 240 : i32
      %dma_start3A_368 = tpu.memref_slice %arg29[%mul3A_2, %dma_start3A_367] : memref<16384x416xf32, #tpu.memory_space<hbm>> -> memref<512x16xf32, #tpu.memory_space<hbm>>
      tpu.enqueue_dma source(%arg32 : memref<512x16xf32, #tpu.memory_space<vmem>>) target(%dma_start3A_368 : memref<512x16xf32, #tpu.memory_space<hbm>>) target_semaphore(%run_scoped3A : memref<!tpu.dma_semaphore, #tpu.memory_space<semaphore_mem>>)
      %dma_wait3A_369 = arith.constant 240 : i32
      %dma_wait3A_370 = tpu.memref_slice %arg29[%mul3A_2, %dma_wait3A_369] : memref<16384x416xf32, #tpu.memory_space<hbm>> -> memref<512x16xf32, #tpu.memory_space<hbm>>
      %dma_wait3A_371 = arith.constant 240 : i32
      %dma_wait3A_372 = tpu.memref_slice %arg29[%mul3A_2, %dma_wait3A_371] : memref<16384x416xf32, #tpu.memory_space<hbm>> -> memref<512x16xf32, #tpu.memory_space<hbm>>
      tpu.wait_dma2 semaphore(%run_scoped3A : memref<!tpu.dma_semaphore, #tpu.memory_space<semaphore_mem>>) src(%arg32 : memref<512x16xf32, #tpu.memory_space<vmem>>) dst(%dma_wait3A_372 : memref<512x16xf32, #tpu.memory_space<hbm>>)
      tpu.yield
    }) : () -> ()
    %dma_start3A_232 = arith.constant 17 : i32
    %dma_start3A_233 = arith.constant 0 : i32
    %dma_start3A_234 = tpu.memref_slice %arg30[%dma_start3A_232, %dma_start3A_233] : memref<26x512xi32, #tpu.memory_space<vmem>> -> memref<1x512xi32, #tpu.memory_space<vmem>>
    %dma_start3A_235 = tpu.memref_squeeze %dma_start3A_234 : memref<1x512xi32, #tpu.memory_space<vmem>> -> memref<512xi32, #tpu.memory_space<vmem>>
    %dma_start3A_236 = arith.constant 0 : i32
    %dma_start3A_237 = arith.constant 0 : i32
    %dma_start3A_238 = tpu.memref_slice %arg20[%dma_start3A_236, %dma_start3A_237] : memref<102400x16xf32, #tpu.memory_space<hbm>> -> memref<102400x16xf32, #tpu.memory_space<hbm>>
    tpu.enqueue_indirect_dma source(%dma_start3A_238 : memref<102400x16xf32, #tpu.memory_space<hbm>>) target(%arg32 : memref<512x16xf32, #tpu.memory_space<vmem>>) offsets(%dma_start3A_235 : memref<512xi32, #tpu.memory_space<vmem>>) semaphore(%arg34 : memref<!tpu.dma_semaphore, #tpu.memory_space<semaphore_mem>>)
    %dma_wait3A_239 = arith.constant 16 : i32
    %dma_wait3A_240 = arith.constant 0 : i32
    %dma_wait3A_241 = tpu.memref_slice %arg30[%dma_wait3A_239, %dma_wait3A_240] : memref<26x512xi32, #tpu.memory_space<vmem>> -> memref<1x512xi32, #tpu.memory_space<vmem>>
    %dma_wait3A_242 = tpu.memref_squeeze %dma_wait3A_241 : memref<1x512xi32, #tpu.memory_space<vmem>> -> memref<512xi32, #tpu.memory_space<vmem>>
    %dma_wait3A_243 = arith.constant 0 : i32
    %dma_wait3A_244 = arith.constant 0 : i32
    %dma_wait3A_245 = tpu.memref_slice %arg19[%dma_wait3A_243, %dma_wait3A_244] : memref<102400x16xf32, #tpu.memory_space<hbm>> -> memref<102400x16xf32, #tpu.memory_space<hbm>>
    tpu.wait_indirect_dma semaphore(%arg33 : memref<!tpu.dma_semaphore, #tpu.memory_space<semaphore_mem>>) src(%dma_wait3A_245 : memref<102400x16xf32, #tpu.memory_space<hbm>>) dst(%arg31 : memref<512x16xf32, #tpu.memory_space<vmem>>)
    "tpu.region"() ({
      %run_scoped3A = tpu.sem_alloc : memref<!tpu.dma_semaphore, #tpu.memory_space<semaphore_mem>>
      %dma_start3A_365 = arith.constant 256 : i32
      %dma_start3A_366 = tpu.memref_slice %arg29[%mul3A_2, %dma_start3A_365] : memref<16384x416xf32, #tpu.memory_space<hbm>> -> memref<512x16xf32, #tpu.memory_space<hbm>>
      %dma_start3A_367 = arith.constant 256 : i32
      %dma_start3A_368 = tpu.memref_slice %arg29[%mul3A_2, %dma_start3A_367] : memref<16384x416xf32, #tpu.memory_space<hbm>> -> memref<512x16xf32, #tpu.memory_space<hbm>>
      tpu.enqueue_dma source(%arg31 : memref<512x16xf32, #tpu.memory_space<vmem>>) target(%dma_start3A_368 : memref<512x16xf32, #tpu.memory_space<hbm>>) target_semaphore(%run_scoped3A : memref<!tpu.dma_semaphore, #tpu.memory_space<semaphore_mem>>)
      %dma_wait3A_369 = arith.constant 256 : i32
      %dma_wait3A_370 = tpu.memref_slice %arg29[%mul3A_2, %dma_wait3A_369] : memref<16384x416xf32, #tpu.memory_space<hbm>> -> memref<512x16xf32, #tpu.memory_space<hbm>>
      %dma_wait3A_371 = arith.constant 256 : i32
      %dma_wait3A_372 = tpu.memref_slice %arg29[%mul3A_2, %dma_wait3A_371] : memref<16384x416xf32, #tpu.memory_space<hbm>> -> memref<512x16xf32, #tpu.memory_space<hbm>>
      tpu.wait_dma2 semaphore(%run_scoped3A : memref<!tpu.dma_semaphore, #tpu.memory_space<semaphore_mem>>) src(%arg31 : memref<512x16xf32, #tpu.memory_space<vmem>>) dst(%dma_wait3A_372 : memref<512x16xf32, #tpu.memory_space<hbm>>)
      tpu.yield
    }) : () -> ()
    %dma_start3A_246 = arith.constant 18 : i32
    %dma_start3A_247 = arith.constant 0 : i32
    %dma_start3A_248 = tpu.memref_slice %arg30[%dma_start3A_246, %dma_start3A_247] : memref<26x512xi32, #tpu.memory_space<vmem>> -> memref<1x512xi32, #tpu.memory_space<vmem>>
    %dma_start3A_249 = tpu.memref_squeeze %dma_start3A_248 : memref<1x512xi32, #tpu.memory_space<vmem>> -> memref<512xi32, #tpu.memory_space<vmem>>
    %dma_start3A_250 = arith.constant 0 : i32
    %dma_start3A_251 = arith.constant 0 : i32
    %dma_start3A_252 = tpu.memref_slice %arg21[%dma_start3A_250, %dma_start3A_251] : memref<102400x16xf32, #tpu.memory_space<hbm>> -> memref<102400x16xf32, #tpu.memory_space<hbm>>
    tpu.enqueue_indirect_dma source(%dma_start3A_252 : memref<102400x16xf32, #tpu.memory_space<hbm>>) target(%arg31 : memref<512x16xf32, #tpu.memory_space<vmem>>) offsets(%dma_start3A_249 : memref<512xi32, #tpu.memory_space<vmem>>) semaphore(%arg33 : memref<!tpu.dma_semaphore, #tpu.memory_space<semaphore_mem>>)
    %dma_wait3A_253 = arith.constant 17 : i32
    %dma_wait3A_254 = arith.constant 0 : i32
    %dma_wait3A_255 = tpu.memref_slice %arg30[%dma_wait3A_253, %dma_wait3A_254] : memref<26x512xi32, #tpu.memory_space<vmem>> -> memref<1x512xi32, #tpu.memory_space<vmem>>
    %dma_wait3A_256 = tpu.memref_squeeze %dma_wait3A_255 : memref<1x512xi32, #tpu.memory_space<vmem>> -> memref<512xi32, #tpu.memory_space<vmem>>
    %dma_wait3A_257 = arith.constant 0 : i32
    %dma_wait3A_258 = arith.constant 0 : i32
    %dma_wait3A_259 = tpu.memref_slice %arg20[%dma_wait3A_257, %dma_wait3A_258] : memref<102400x16xf32, #tpu.memory_space<hbm>> -> memref<102400x16xf32, #tpu.memory_space<hbm>>
    tpu.wait_indirect_dma semaphore(%arg34 : memref<!tpu.dma_semaphore, #tpu.memory_space<semaphore_mem>>) src(%dma_wait3A_259 : memref<102400x16xf32, #tpu.memory_space<hbm>>) dst(%arg32 : memref<512x16xf32, #tpu.memory_space<vmem>>)
    "tpu.region"() ({
      %run_scoped3A = tpu.sem_alloc : memref<!tpu.dma_semaphore, #tpu.memory_space<semaphore_mem>>
      %dma_start3A_365 = arith.constant 272 : i32
      %dma_start3A_366 = tpu.memref_slice %arg29[%mul3A_2, %dma_start3A_365] : memref<16384x416xf32, #tpu.memory_space<hbm>> -> memref<512x16xf32, #tpu.memory_space<hbm>>
      %dma_start3A_367 = arith.constant 272 : i32
      %dma_start3A_368 = tpu.memref_slice %arg29[%mul3A_2, %dma_start3A_367] : memref<16384x416xf32, #tpu.memory_space<hbm>> -> memref<512x16xf32, #tpu.memory_space<hbm>>
      tpu.enqueue_dma source(%arg32 : memref<512x16xf32, #tpu.memory_space<vmem>>) target(%dma_start3A_368 : memref<512x16xf32, #tpu.memory_space<hbm>>) target_semaphore(%run_scoped3A : memref<!tpu.dma_semaphore, #tpu.memory_space<semaphore_mem>>)
      %dma_wait3A_369 = arith.constant 272 : i32
      %dma_wait3A_370 = tpu.memref_slice %arg29[%mul3A_2, %dma_wait3A_369] : memref<16384x416xf32, #tpu.memory_space<hbm>> -> memref<512x16xf32, #tpu.memory_space<hbm>>
      %dma_wait3A_371 = arith.constant 272 : i32
      %dma_wait3A_372 = tpu.memref_slice %arg29[%mul3A_2, %dma_wait3A_371] : memref<16384x416xf32, #tpu.memory_space<hbm>> -> memref<512x16xf32, #tpu.memory_space<hbm>>
      tpu.wait_dma2 semaphore(%run_scoped3A : memref<!tpu.dma_semaphore, #tpu.memory_space<semaphore_mem>>) src(%arg32 : memref<512x16xf32, #tpu.memory_space<vmem>>) dst(%dma_wait3A_372 : memref<512x16xf32, #tpu.memory_space<hbm>>)
      tpu.yield
    }) : () -> ()
    %dma_start3A_260 = arith.constant 19 : i32
    %dma_start3A_261 = arith.constant 0 : i32
    %dma_start3A_262 = tpu.memref_slice %arg30[%dma_start3A_260, %dma_start3A_261] : memref<26x512xi32, #tpu.memory_space<vmem>> -> memref<1x512xi32, #tpu.memory_space<vmem>>
    %dma_start3A_263 = tpu.memref_squeeze %dma_start3A_262 : memref<1x512xi32, #tpu.memory_space<vmem>> -> memref<512xi32, #tpu.memory_space<vmem>>
    %dma_start3A_264 = arith.constant 0 : i32
    %dma_start3A_265 = arith.constant 0 : i32
    %dma_start3A_266 = tpu.memref_slice %arg22[%dma_start3A_264, %dma_start3A_265] : memref<102400x16xf32, #tpu.memory_space<hbm>> -> memref<102400x16xf32, #tpu.memory_space<hbm>>
    tpu.enqueue_indirect_dma source(%dma_start3A_266 : memref<102400x16xf32, #tpu.memory_space<hbm>>) target(%arg32 : memref<512x16xf32, #tpu.memory_space<vmem>>) offsets(%dma_start3A_263 : memref<512xi32, #tpu.memory_space<vmem>>) semaphore(%arg34 : memref<!tpu.dma_semaphore, #tpu.memory_space<semaphore_mem>>)
    %dma_wait3A_267 = arith.constant 18 : i32
    %dma_wait3A_268 = arith.constant 0 : i32
    %dma_wait3A_269 = tpu.memref_slice %arg30[%dma_wait3A_267, %dma_wait3A_268] : memref<26x512xi32, #tpu.memory_space<vmem>> -> memref<1x512xi32, #tpu.memory_space<vmem>>
    %dma_wait3A_270 = tpu.memref_squeeze %dma_wait3A_269 : memref<1x512xi32, #tpu.memory_space<vmem>> -> memref<512xi32, #tpu.memory_space<vmem>>
    %dma_wait3A_271 = arith.constant 0 : i32
    %dma_wait3A_272 = arith.constant 0 : i32
    %dma_wait3A_273 = tpu.memref_slice %arg21[%dma_wait3A_271, %dma_wait3A_272] : memref<102400x16xf32, #tpu.memory_space<hbm>> -> memref<102400x16xf32, #tpu.memory_space<hbm>>
    tpu.wait_indirect_dma semaphore(%arg33 : memref<!tpu.dma_semaphore, #tpu.memory_space<semaphore_mem>>) src(%dma_wait3A_273 : memref<102400x16xf32, #tpu.memory_space<hbm>>) dst(%arg31 : memref<512x16xf32, #tpu.memory_space<vmem>>)
    "tpu.region"() ({
      %run_scoped3A = tpu.sem_alloc : memref<!tpu.dma_semaphore, #tpu.memory_space<semaphore_mem>>
      %dma_start3A_365 = arith.constant 288 : i32
      %dma_start3A_366 = tpu.memref_slice %arg29[%mul3A_2, %dma_start3A_365] : memref<16384x416xf32, #tpu.memory_space<hbm>> -> memref<512x16xf32, #tpu.memory_space<hbm>>
      %dma_start3A_367 = arith.constant 288 : i32
      %dma_start3A_368 = tpu.memref_slice %arg29[%mul3A_2, %dma_start3A_367] : memref<16384x416xf32, #tpu.memory_space<hbm>> -> memref<512x16xf32, #tpu.memory_space<hbm>>
      tpu.enqueue_dma source(%arg31 : memref<512x16xf32, #tpu.memory_space<vmem>>) target(%dma_start3A_368 : memref<512x16xf32, #tpu.memory_space<hbm>>) target_semaphore(%run_scoped3A : memref<!tpu.dma_semaphore, #tpu.memory_space<semaphore_mem>>)
      %dma_wait3A_369 = arith.constant 288 : i32
      %dma_wait3A_370 = tpu.memref_slice %arg29[%mul3A_2, %dma_wait3A_369] : memref<16384x416xf32, #tpu.memory_space<hbm>> -> memref<512x16xf32, #tpu.memory_space<hbm>>
      %dma_wait3A_371 = arith.constant 288 : i32
      %dma_wait3A_372 = tpu.memref_slice %arg29[%mul3A_2, %dma_wait3A_371] : memref<16384x416xf32, #tpu.memory_space<hbm>> -> memref<512x16xf32, #tpu.memory_space<hbm>>
      tpu.wait_dma2 semaphore(%run_scoped3A : memref<!tpu.dma_semaphore, #tpu.memory_space<semaphore_mem>>) src(%arg31 : memref<512x16xf32, #tpu.memory_space<vmem>>) dst(%dma_wait3A_372 : memref<512x16xf32, #tpu.memory_space<hbm>>)
      tpu.yield
    }) : () -> ()
    %dma_start3A_274 = arith.constant 20 : i32
    %dma_start3A_275 = arith.constant 0 : i32
    %dma_start3A_276 = tpu.memref_slice %arg30[%dma_start3A_274, %dma_start3A_275] : memref<26x512xi32, #tpu.memory_space<vmem>> -> memref<1x512xi32, #tpu.memory_space<vmem>>
    %dma_start3A_277 = tpu.memref_squeeze %dma_start3A_276 : memref<1x512xi32, #tpu.memory_space<vmem>> -> memref<512xi32, #tpu.memory_space<vmem>>
    %dma_start3A_278 = arith.constant 0 : i32
    %dma_start3A_279 = arith.constant 0 : i32
    %dma_start3A_280 = tpu.memref_slice %arg23[%dma_start3A_278, %dma_start3A_279] : memref<102400x16xf32, #tpu.memory_space<hbm>> -> memref<102400x16xf32, #tpu.memory_space<hbm>>
    tpu.enqueue_indirect_dma source(%dma_start3A_280 : memref<102400x16xf32, #tpu.memory_space<hbm>>) target(%arg31 : memref<512x16xf32, #tpu.memory_space<vmem>>) offsets(%dma_start3A_277 : memref<512xi32, #tpu.memory_space<vmem>>) semaphore(%arg33 : memref<!tpu.dma_semaphore, #tpu.memory_space<semaphore_mem>>)
    %dma_wait3A_281 = arith.constant 19 : i32
    %dma_wait3A_282 = arith.constant 0 : i32
    %dma_wait3A_283 = tpu.memref_slice %arg30[%dma_wait3A_281, %dma_wait3A_282] : memref<26x512xi32, #tpu.memory_space<vmem>> -> memref<1x512xi32, #tpu.memory_space<vmem>>
    %dma_wait3A_284 = tpu.memref_squeeze %dma_wait3A_283 : memref<1x512xi32, #tpu.memory_space<vmem>> -> memref<512xi32, #tpu.memory_space<vmem>>
    %dma_wait3A_285 = arith.constant 0 : i32
    %dma_wait3A_286 = arith.constant 0 : i32
    %dma_wait3A_287 = tpu.memref_slice %arg22[%dma_wait3A_285, %dma_wait3A_286] : memref<102400x16xf32, #tpu.memory_space<hbm>> -> memref<102400x16xf32, #tpu.memory_space<hbm>>
    tpu.wait_indirect_dma semaphore(%arg34 : memref<!tpu.dma_semaphore, #tpu.memory_space<semaphore_mem>>) src(%dma_wait3A_287 : memref<102400x16xf32, #tpu.memory_space<hbm>>) dst(%arg32 : memref<512x16xf32, #tpu.memory_space<vmem>>)
    "tpu.region"() ({
      %run_scoped3A = tpu.sem_alloc : memref<!tpu.dma_semaphore, #tpu.memory_space<semaphore_mem>>
      %dma_start3A_365 = arith.constant 304 : i32
      %dma_start3A_366 = tpu.memref_slice %arg29[%mul3A_2, %dma_start3A_365] : memref<16384x416xf32, #tpu.memory_space<hbm>> -> memref<512x16xf32, #tpu.memory_space<hbm>>
      %dma_start3A_367 = arith.constant 304 : i32
      %dma_start3A_368 = tpu.memref_slice %arg29[%mul3A_2, %dma_start3A_367] : memref<16384x416xf32, #tpu.memory_space<hbm>> -> memref<512x16xf32, #tpu.memory_space<hbm>>
      tpu.enqueue_dma source(%arg32 : memref<512x16xf32, #tpu.memory_space<vmem>>) target(%dma_start3A_368 : memref<512x16xf32, #tpu.memory_space<hbm>>) target_semaphore(%run_scoped3A : memref<!tpu.dma_semaphore, #tpu.memory_space<semaphore_mem>>)
      %dma_wait3A_369 = arith.constant 304 : i32
      %dma_wait3A_370 = tpu.memref_slice %arg29[%mul3A_2, %dma_wait3A_369] : memref<16384x416xf32, #tpu.memory_space<hbm>> -> memref<512x16xf32, #tpu.memory_space<hbm>>
      %dma_wait3A_371 = arith.constant 304 : i32
      %dma_wait3A_372 = tpu.memref_slice %arg29[%mul3A_2, %dma_wait3A_371] : memref<16384x416xf32, #tpu.memory_space<hbm>> -> memref<512x16xf32, #tpu.memory_space<hbm>>
      tpu.wait_dma2 semaphore(%run_scoped3A : memref<!tpu.dma_semaphore, #tpu.memory_space<semaphore_mem>>) src(%arg32 : memref<512x16xf32, #tpu.memory_space<vmem>>) dst(%dma_wait3A_372 : memref<512x16xf32, #tpu.memory_space<hbm>>)
      tpu.yield
    }) : () -> ()
    %dma_start3A_288 = arith.constant 21 : i32
    %dma_start3A_289 = arith.constant 0 : i32
    %dma_start3A_290 = tpu.memref_slice %arg30[%dma_start3A_288, %dma_start3A_289] : memref<26x512xi32, #tpu.memory_space<vmem>> -> memref<1x512xi32, #tpu.memory_space<vmem>>
    %dma_start3A_291 = tpu.memref_squeeze %dma_start3A_290 : memref<1x512xi32, #tpu.memory_space<vmem>> -> memref<512xi32, #tpu.memory_space<vmem>>
    %dma_start3A_292 = arith.constant 0 : i32
    %dma_start3A_293 = arith.constant 0 : i32
    %dma_start3A_294 = tpu.memref_slice %arg24[%dma_start3A_292, %dma_start3A_293] : memref<102400x16xf32, #tpu.memory_space<hbm>> -> memref<102400x16xf32, #tpu.memory_space<hbm>>
    tpu.enqueue_indirect_dma source(%dma_start3A_294 : memref<102400x16xf32, #tpu.memory_space<hbm>>) target(%arg32 : memref<512x16xf32, #tpu.memory_space<vmem>>) offsets(%dma_start3A_291 : memref<512xi32, #tpu.memory_space<vmem>>) semaphore(%arg34 : memref<!tpu.dma_semaphore, #tpu.memory_space<semaphore_mem>>)
    %dma_wait3A_295 = arith.constant 20 : i32
    %dma_wait3A_296 = arith.constant 0 : i32
    %dma_wait3A_297 = tpu.memref_slice %arg30[%dma_wait3A_295, %dma_wait3A_296] : memref<26x512xi32, #tpu.memory_space<vmem>> -> memref<1x512xi32, #tpu.memory_space<vmem>>
    %dma_wait3A_298 = tpu.memref_squeeze %dma_wait3A_297 : memref<1x512xi32, #tpu.memory_space<vmem>> -> memref<512xi32, #tpu.memory_space<vmem>>
    %dma_wait3A_299 = arith.constant 0 : i32
    %dma_wait3A_300 = arith.constant 0 : i32
    %dma_wait3A_301 = tpu.memref_slice %arg23[%dma_wait3A_299, %dma_wait3A_300] : memref<102400x16xf32, #tpu.memory_space<hbm>> -> memref<102400x16xf32, #tpu.memory_space<hbm>>
    tpu.wait_indirect_dma semaphore(%arg33 : memref<!tpu.dma_semaphore, #tpu.memory_space<semaphore_mem>>) src(%dma_wait3A_301 : memref<102400x16xf32, #tpu.memory_space<hbm>>) dst(%arg31 : memref<512x16xf32, #tpu.memory_space<vmem>>)
    "tpu.region"() ({
      %run_scoped3A = tpu.sem_alloc : memref<!tpu.dma_semaphore, #tpu.memory_space<semaphore_mem>>
      %dma_start3A_365 = arith.constant 320 : i32
      %dma_start3A_366 = tpu.memref_slice %arg29[%mul3A_2, %dma_start3A_365] : memref<16384x416xf32, #tpu.memory_space<hbm>> -> memref<512x16xf32, #tpu.memory_space<hbm>>
      %dma_start3A_367 = arith.constant 320 : i32
      %dma_start3A_368 = tpu.memref_slice %arg29[%mul3A_2, %dma_start3A_367] : memref<16384x416xf32, #tpu.memory_space<hbm>> -> memref<512x16xf32, #tpu.memory_space<hbm>>
      tpu.enqueue_dma source(%arg31 : memref<512x16xf32, #tpu.memory_space<vmem>>) target(%dma_start3A_368 : memref<512x16xf32, #tpu.memory_space<hbm>>) target_semaphore(%run_scoped3A : memref<!tpu.dma_semaphore, #tpu.memory_space<semaphore_mem>>)
      %dma_wait3A_369 = arith.constant 320 : i32
      %dma_wait3A_370 = tpu.memref_slice %arg29[%mul3A_2, %dma_wait3A_369] : memref<16384x416xf32, #tpu.memory_space<hbm>> -> memref<512x16xf32, #tpu.memory_space<hbm>>
      %dma_wait3A_371 = arith.constant 320 : i32
      %dma_wait3A_372 = tpu.memref_slice %arg29[%mul3A_2, %dma_wait3A_371] : memref<16384x416xf32, #tpu.memory_space<hbm>> -> memref<512x16xf32, #tpu.memory_space<hbm>>
      tpu.wait_dma2 semaphore(%run_scoped3A : memref<!tpu.dma_semaphore, #tpu.memory_space<semaphore_mem>>) src(%arg31 : memref<512x16xf32, #tpu.memory_space<vmem>>) dst(%dma_wait3A_372 : memref<512x16xf32, #tpu.memory_space<hbm>>)
      tpu.yield
    }) : () -> ()
    %dma_start3A_302 = arith.constant 22 : i32
    %dma_start3A_303 = arith.constant 0 : i32
    %dma_start3A_304 = tpu.memref_slice %arg30[%dma_start3A_302, %dma_start3A_303] : memref<26x512xi32, #tpu.memory_space<vmem>> -> memref<1x512xi32, #tpu.memory_space<vmem>>
    %dma_start3A_305 = tpu.memref_squeeze %dma_start3A_304 : memref<1x512xi32, #tpu.memory_space<vmem>> -> memref<512xi32, #tpu.memory_space<vmem>>
    %dma_start3A_306 = arith.constant 0 : i32
    %dma_start3A_307 = arith.constant 0 : i32
    %dma_start3A_308 = tpu.memref_slice %arg25[%dma_start3A_306, %dma_start3A_307] : memref<102400x16xf32, #tpu.memory_space<hbm>> -> memref<102400x16xf32, #tpu.memory_space<hbm>>
    tpu.enqueue_indirect_dma source(%dma_start3A_308 : memref<102400x16xf32, #tpu.memory_space<hbm>>) target(%arg31 : memref<512x16xf32, #tpu.memory_space<vmem>>) offsets(%dma_start3A_305 : memref<512xi32, #tpu.memory_space<vmem>>) semaphore(%arg33 : memref<!tpu.dma_semaphore, #tpu.memory_space<semaphore_mem>>)
    %dma_wait3A_309 = arith.constant 21 : i32
    %dma_wait3A_310 = arith.constant 0 : i32
    %dma_wait3A_311 = tpu.memref_slice %arg30[%dma_wait3A_309, %dma_wait3A_310] : memref<26x512xi32, #tpu.memory_space<vmem>> -> memref<1x512xi32, #tpu.memory_space<vmem>>
    %dma_wait3A_312 = tpu.memref_squeeze %dma_wait3A_311 : memref<1x512xi32, #tpu.memory_space<vmem>> -> memref<512xi32, #tpu.memory_space<vmem>>
    %dma_wait3A_313 = arith.constant 0 : i32
    %dma_wait3A_314 = arith.constant 0 : i32
    %dma_wait3A_315 = tpu.memref_slice %arg24[%dma_wait3A_313, %dma_wait3A_314] : memref<102400x16xf32, #tpu.memory_space<hbm>> -> memref<102400x16xf32, #tpu.memory_space<hbm>>
    tpu.wait_indirect_dma semaphore(%arg34 : memref<!tpu.dma_semaphore, #tpu.memory_space<semaphore_mem>>) src(%dma_wait3A_315 : memref<102400x16xf32, #tpu.memory_space<hbm>>) dst(%arg32 : memref<512x16xf32, #tpu.memory_space<vmem>>)
    "tpu.region"() ({
      %run_scoped3A = tpu.sem_alloc : memref<!tpu.dma_semaphore, #tpu.memory_space<semaphore_mem>>
      %dma_start3A_365 = arith.constant 336 : i32
      %dma_start3A_366 = tpu.memref_slice %arg29[%mul3A_2, %dma_start3A_365] : memref<16384x416xf32, #tpu.memory_space<hbm>> -> memref<512x16xf32, #tpu.memory_space<hbm>>
      %dma_start3A_367 = arith.constant 336 : i32
      %dma_start3A_368 = tpu.memref_slice %arg29[%mul3A_2, %dma_start3A_367] : memref<16384x416xf32, #tpu.memory_space<hbm>> -> memref<512x16xf32, #tpu.memory_space<hbm>>
      tpu.enqueue_dma source(%arg32 : memref<512x16xf32, #tpu.memory_space<vmem>>) target(%dma_start3A_368 : memref<512x16xf32, #tpu.memory_space<hbm>>) target_semaphore(%run_scoped3A : memref<!tpu.dma_semaphore, #tpu.memory_space<semaphore_mem>>)
      %dma_wait3A_369 = arith.constant 336 : i32
      %dma_wait3A_370 = tpu.memref_slice %arg29[%mul3A_2, %dma_wait3A_369] : memref<16384x416xf32, #tpu.memory_space<hbm>> -> memref<512x16xf32, #tpu.memory_space<hbm>>
      %dma_wait3A_371 = arith.constant 336 : i32
      %dma_wait3A_372 = tpu.memref_slice %arg29[%mul3A_2, %dma_wait3A_371] : memref<16384x416xf32, #tpu.memory_space<hbm>> -> memref<512x16xf32, #tpu.memory_space<hbm>>
      tpu.wait_dma2 semaphore(%run_scoped3A : memref<!tpu.dma_semaphore, #tpu.memory_space<semaphore_mem>>) src(%arg32 : memref<512x16xf32, #tpu.memory_space<vmem>>) dst(%dma_wait3A_372 : memref<512x16xf32, #tpu.memory_space<hbm>>)
      tpu.yield
    }) : () -> ()
    %dma_start3A_316 = arith.constant 23 : i32
    %dma_start3A_317 = arith.constant 0 : i32
    %dma_start3A_318 = tpu.memref_slice %arg30[%dma_start3A_316, %dma_start3A_317] : memref<26x512xi32, #tpu.memory_space<vmem>> -> memref<1x512xi32, #tpu.memory_space<vmem>>
    %dma_start3A_319 = tpu.memref_squeeze %dma_start3A_318 : memref<1x512xi32, #tpu.memory_space<vmem>> -> memref<512xi32, #tpu.memory_space<vmem>>
    %dma_start3A_320 = arith.constant 0 : i32
    %dma_start3A_321 = arith.constant 0 : i32
    %dma_start3A_322 = tpu.memref_slice %arg26[%dma_start3A_320, %dma_start3A_321] : memref<102400x16xf32, #tpu.memory_space<hbm>> -> memref<102400x16xf32, #tpu.memory_space<hbm>>
    tpu.enqueue_indirect_dma source(%dma_start3A_322 : memref<102400x16xf32, #tpu.memory_space<hbm>>) target(%arg32 : memref<512x16xf32, #tpu.memory_space<vmem>>) offsets(%dma_start3A_319 : memref<512xi32, #tpu.memory_space<vmem>>) semaphore(%arg34 : memref<!tpu.dma_semaphore, #tpu.memory_space<semaphore_mem>>)
    %dma_wait3A_323 = arith.constant 22 : i32
    %dma_wait3A_324 = arith.constant 0 : i32
    %dma_wait3A_325 = tpu.memref_slice %arg30[%dma_wait3A_323, %dma_wait3A_324] : memref<26x512xi32, #tpu.memory_space<vmem>> -> memref<1x512xi32, #tpu.memory_space<vmem>>
    %dma_wait3A_326 = tpu.memref_squeeze %dma_wait3A_325 : memref<1x512xi32, #tpu.memory_space<vmem>> -> memref<512xi32, #tpu.memory_space<vmem>>
    %dma_wait3A_327 = arith.constant 0 : i32
    %dma_wait3A_328 = arith.constant 0 : i32
    %dma_wait3A_329 = tpu.memref_slice %arg25[%dma_wait3A_327, %dma_wait3A_328] : memref<102400x16xf32, #tpu.memory_space<hbm>> -> memref<102400x16xf32, #tpu.memory_space<hbm>>
    tpu.wait_indirect_dma semaphore(%arg33 : memref<!tpu.dma_semaphore, #tpu.memory_space<semaphore_mem>>) src(%dma_wait3A_329 : memref<102400x16xf32, #tpu.memory_space<hbm>>) dst(%arg31 : memref<512x16xf32, #tpu.memory_space<vmem>>)
    "tpu.region"() ({
      %run_scoped3A = tpu.sem_alloc : memref<!tpu.dma_semaphore, #tpu.memory_space<semaphore_mem>>
      %dma_start3A_365 = arith.constant 352 : i32
      %dma_start3A_366 = tpu.memref_slice %arg29[%mul3A_2, %dma_start3A_365] : memref<16384x416xf32, #tpu.memory_space<hbm>> -> memref<512x16xf32, #tpu.memory_space<hbm>>
      %dma_start3A_367 = arith.constant 352 : i32
      %dma_start3A_368 = tpu.memref_slice %arg29[%mul3A_2, %dma_start3A_367] : memref<16384x416xf32, #tpu.memory_space<hbm>> -> memref<512x16xf32, #tpu.memory_space<hbm>>
      tpu.enqueue_dma source(%arg31 : memref<512x16xf32, #tpu.memory_space<vmem>>) target(%dma_start3A_368 : memref<512x16xf32, #tpu.memory_space<hbm>>) target_semaphore(%run_scoped3A : memref<!tpu.dma_semaphore, #tpu.memory_space<semaphore_mem>>)
      %dma_wait3A_369 = arith.constant 352 : i32
      %dma_wait3A_370 = tpu.memref_slice %arg29[%mul3A_2, %dma_wait3A_369] : memref<16384x416xf32, #tpu.memory_space<hbm>> -> memref<512x16xf32, #tpu.memory_space<hbm>>
      %dma_wait3A_371 = arith.constant 352 : i32
      %dma_wait3A_372 = tpu.memref_slice %arg29[%mul3A_2, %dma_wait3A_371] : memref<16384x416xf32, #tpu.memory_space<hbm>> -> memref<512x16xf32, #tpu.memory_space<hbm>>
      tpu.wait_dma2 semaphore(%run_scoped3A : memref<!tpu.dma_semaphore, #tpu.memory_space<semaphore_mem>>) src(%arg31 : memref<512x16xf32, #tpu.memory_space<vmem>>) dst(%dma_wait3A_372 : memref<512x16xf32, #tpu.memory_space<hbm>>)
      tpu.yield
    }) : () -> ()
    %dma_start3A_330 = arith.constant 24 : i32
    %dma_start3A_331 = arith.constant 0 : i32
    %dma_start3A_332 = tpu.memref_slice %arg30[%dma_start3A_330, %dma_start3A_331] : memref<26x512xi32, #tpu.memory_space<vmem>> -> memref<1x512xi32, #tpu.memory_space<vmem>>
    %dma_start3A_333 = tpu.memref_squeeze %dma_start3A_332 : memref<1x512xi32, #tpu.memory_space<vmem>> -> memref<512xi32, #tpu.memory_space<vmem>>
    %dma_start3A_334 = arith.constant 0 : i32
    %dma_start3A_335 = arith.constant 0 : i32
    %dma_start3A_336 = tpu.memref_slice %arg27[%dma_start3A_334, %dma_start3A_335] : memref<102400x16xf32, #tpu.memory_space<hbm>> -> memref<102400x16xf32, #tpu.memory_space<hbm>>
    tpu.enqueue_indirect_dma source(%dma_start3A_336 : memref<102400x16xf32, #tpu.memory_space<hbm>>) target(%arg31 : memref<512x16xf32, #tpu.memory_space<vmem>>) offsets(%dma_start3A_333 : memref<512xi32, #tpu.memory_space<vmem>>) semaphore(%arg33 : memref<!tpu.dma_semaphore, #tpu.memory_space<semaphore_mem>>)
    %dma_wait3A_337 = arith.constant 23 : i32
    %dma_wait3A_338 = arith.constant 0 : i32
    %dma_wait3A_339 = tpu.memref_slice %arg30[%dma_wait3A_337, %dma_wait3A_338] : memref<26x512xi32, #tpu.memory_space<vmem>> -> memref<1x512xi32, #tpu.memory_space<vmem>>
    %dma_wait3A_340 = tpu.memref_squeeze %dma_wait3A_339 : memref<1x512xi32, #tpu.memory_space<vmem>> -> memref<512xi32, #tpu.memory_space<vmem>>
    %dma_wait3A_341 = arith.constant 0 : i32
    %dma_wait3A_342 = arith.constant 0 : i32
    %dma_wait3A_343 = tpu.memref_slice %arg26[%dma_wait3A_341, %dma_wait3A_342] : memref<102400x16xf32, #tpu.memory_space<hbm>> -> memref<102400x16xf32, #tpu.memory_space<hbm>>
    tpu.wait_indirect_dma semaphore(%arg34 : memref<!tpu.dma_semaphore, #tpu.memory_space<semaphore_mem>>) src(%dma_wait3A_343 : memref<102400x16xf32, #tpu.memory_space<hbm>>) dst(%arg32 : memref<512x16xf32, #tpu.memory_space<vmem>>)
    "tpu.region"() ({
      %run_scoped3A = tpu.sem_alloc : memref<!tpu.dma_semaphore, #tpu.memory_space<semaphore_mem>>
      %dma_start3A_365 = arith.constant 368 : i32
      %dma_start3A_366 = tpu.memref_slice %arg29[%mul3A_2, %dma_start3A_365] : memref<16384x416xf32, #tpu.memory_space<hbm>> -> memref<512x16xf32, #tpu.memory_space<hbm>>
      %dma_start3A_367 = arith.constant 368 : i32
      %dma_start3A_368 = tpu.memref_slice %arg29[%mul3A_2, %dma_start3A_367] : memref<16384x416xf32, #tpu.memory_space<hbm>> -> memref<512x16xf32, #tpu.memory_space<hbm>>
      tpu.enqueue_dma source(%arg32 : memref<512x16xf32, #tpu.memory_space<vmem>>) target(%dma_start3A_368 : memref<512x16xf32, #tpu.memory_space<hbm>>) target_semaphore(%run_scoped3A : memref<!tpu.dma_semaphore, #tpu.memory_space<semaphore_mem>>)
      %dma_wait3A_369 = arith.constant 368 : i32
      %dma_wait3A_370 = tpu.memref_slice %arg29[%mul3A_2, %dma_wait3A_369] : memref<16384x416xf32, #tpu.memory_space<hbm>> -> memref<512x16xf32, #tpu.memory_space<hbm>>
      %dma_wait3A_371 = arith.constant 368 : i32
      %dma_wait3A_372 = tpu.memref_slice %arg29[%mul3A_2, %dma_wait3A_371] : memref<16384x416xf32, #tpu.memory_space<hbm>> -> memref<512x16xf32, #tpu.memory_space<hbm>>
      tpu.wait_dma2 semaphore(%run_scoped3A : memref<!tpu.dma_semaphore, #tpu.memory_space<semaphore_mem>>) src(%arg32 : memref<512x16xf32, #tpu.memory_space<vmem>>) dst(%dma_wait3A_372 : memref<512x16xf32, #tpu.memory_space<hbm>>)
      tpu.yield
    }) : () -> ()
    %dma_start3A_344 = arith.constant 25 : i32
    %dma_start3A_345 = arith.constant 0 : i32
    %dma_start3A_346 = tpu.memref_slice %arg30[%dma_start3A_344, %dma_start3A_345] : memref<26x512xi32, #tpu.memory_space<vmem>> -> memref<1x512xi32, #tpu.memory_space<vmem>>
    %dma_start3A_347 = tpu.memref_squeeze %dma_start3A_346 : memref<1x512xi32, #tpu.memory_space<vmem>> -> memref<512xi32, #tpu.memory_space<vmem>>
    %dma_start3A_348 = arith.constant 0 : i32
    %dma_start3A_349 = arith.constant 0 : i32
    %dma_start3A_350 = tpu.memref_slice %arg28[%dma_start3A_348, %dma_start3A_349] : memref<102400x16xf32, #tpu.memory_space<hbm>> -> memref<102400x16xf32, #tpu.memory_space<hbm>>
    tpu.enqueue_indirect_dma source(%dma_start3A_350 : memref<102400x16xf32, #tpu.memory_space<hbm>>) target(%arg32 : memref<512x16xf32, #tpu.memory_space<vmem>>) offsets(%dma_start3A_347 : memref<512xi32, #tpu.memory_space<vmem>>) semaphore(%arg34 : memref<!tpu.dma_semaphore, #tpu.memory_space<semaphore_mem>>)
    %dma_wait3A_351 = arith.constant 24 : i32
    %dma_wait3A_352 = arith.constant 0 : i32
    %dma_wait3A_353 = tpu.memref_slice %arg30[%dma_wait3A_351, %dma_wait3A_352] : memref<26x512xi32, #tpu.memory_space<vmem>> -> memref<1x512xi32, #tpu.memory_space<vmem>>
    %dma_wait3A_354 = tpu.memref_squeeze %dma_wait3A_353 : memref<1x512xi32, #tpu.memory_space<vmem>> -> memref<512xi32, #tpu.memory_space<vmem>>
    %dma_wait3A_355 = arith.constant 0 : i32
    %dma_wait3A_356 = arith.constant 0 : i32
    %dma_wait3A_357 = tpu.memref_slice %arg27[%dma_wait3A_355, %dma_wait3A_356] : memref<102400x16xf32, #tpu.memory_space<hbm>> -> memref<102400x16xf32, #tpu.memory_space<hbm>>
    tpu.wait_indirect_dma semaphore(%arg33 : memref<!tpu.dma_semaphore, #tpu.memory_space<semaphore_mem>>) src(%dma_wait3A_357 : memref<102400x16xf32, #tpu.memory_space<hbm>>) dst(%arg31 : memref<512x16xf32, #tpu.memory_space<vmem>>)
    "tpu.region"() ({
      %run_scoped3A = tpu.sem_alloc : memref<!tpu.dma_semaphore, #tpu.memory_space<semaphore_mem>>
      %dma_start3A_365 = arith.constant 384 : i32
      %dma_start3A_366 = tpu.memref_slice %arg29[%mul3A_2, %dma_start3A_365] : memref<16384x416xf32, #tpu.memory_space<hbm>> -> memref<512x16xf32, #tpu.memory_space<hbm>>
      %dma_start3A_367 = arith.constant 384 : i32
      %dma_start3A_368 = tpu.memref_slice %arg29[%mul3A_2, %dma_start3A_367] : memref<16384x416xf32, #tpu.memory_space<hbm>> -> memref<512x16xf32, #tpu.memory_space<hbm>>
      tpu.enqueue_dma source(%arg31 : memref<512x16xf32, #tpu.memory_space<vmem>>) target(%dma_start3A_368 : memref<512x16xf32, #tpu.memory_space<hbm>>) target_semaphore(%run_scoped3A : memref<!tpu.dma_semaphore, #tpu.memory_space<semaphore_mem>>)
      %dma_wait3A_369 = arith.constant 384 : i32
      %dma_wait3A_370 = tpu.memref_slice %arg29[%mul3A_2, %dma_wait3A_369] : memref<16384x416xf32, #tpu.memory_space<hbm>> -> memref<512x16xf32, #tpu.memory_space<hbm>>
      %dma_wait3A_371 = arith.constant 384 : i32
      %dma_wait3A_372 = tpu.memref_slice %arg29[%mul3A_2, %dma_wait3A_371] : memref<16384x416xf32, #tpu.memory_space<hbm>> -> memref<512x16xf32, #tpu.memory_space<hbm>>
      tpu.wait_dma2 semaphore(%run_scoped3A : memref<!tpu.dma_semaphore, #tpu.memory_space<semaphore_mem>>) src(%arg31 : memref<512x16xf32, #tpu.memory_space<vmem>>) dst(%dma_wait3A_372 : memref<512x16xf32, #tpu.memory_space<hbm>>)
      tpu.yield
    }) : () -> ()
    %dma_wait3A_358 = arith.constant 25 : i32
    %dma_wait3A_359 = arith.constant 0 : i32
    %dma_wait3A_360 = tpu.memref_slice %arg30[%dma_wait3A_358, %dma_wait3A_359] : memref<26x512xi32, #tpu.memory_space<vmem>> -> memref<1x512xi32, #tpu.memory_space<vmem>>
    %dma_wait3A_361 = tpu.memref_squeeze %dma_wait3A_360 : memref<1x512xi32, #tpu.memory_space<vmem>> -> memref<512xi32, #tpu.memory_space<vmem>>
    %dma_wait3A_362 = arith.constant 0 : i32
    %dma_wait3A_363 = arith.constant 0 : i32
    %dma_wait3A_364 = tpu.memref_slice %arg28[%dma_wait3A_362, %dma_wait3A_363] : memref<102400x16xf32, #tpu.memory_space<hbm>> -> memref<102400x16xf32, #tpu.memory_space<hbm>>
    tpu.wait_indirect_dma semaphore(%arg34 : memref<!tpu.dma_semaphore, #tpu.memory_space<semaphore_mem>>) src(%dma_wait3A_364 : memref<102400x16xf32, #tpu.memory_space<hbm>>) dst(%arg32 : memref<512x16xf32, #tpu.memory_space<vmem>>)
    "tpu.region"() ({
      %run_scoped3A = tpu.sem_alloc : memref<!tpu.dma_semaphore, #tpu.memory_space<semaphore_mem>>
      %dma_start3A_365 = arith.constant 400 : i32
      %dma_start3A_366 = tpu.memref_slice %arg29[%mul3A_2, %dma_start3A_365] : memref<16384x416xf32, #tpu.memory_space<hbm>> -> memref<512x16xf32, #tpu.memory_space<hbm>>
      %dma_start3A_367 = arith.constant 400 : i32
      %dma_start3A_368 = tpu.memref_slice %arg29[%mul3A_2, %dma_start3A_367] : memref<16384x416xf32, #tpu.memory_space<hbm>> -> memref<512x16xf32, #tpu.memory_space<hbm>>
      tpu.enqueue_dma source(%arg32 : memref<512x16xf32, #tpu.memory_space<vmem>>) target(%dma_start3A_368 : memref<512x16xf32, #tpu.memory_space<hbm>>) target_semaphore(%run_scoped3A : memref<!tpu.dma_semaphore, #tpu.memory_space<semaphore_mem>>)
      %dma_wait3A_369 = arith.constant 400 : i32
      %dma_wait3A_370 = tpu.memref_slice %arg29[%mul3A_2, %dma_wait3A_369] : memref<16384x416xf32, #tpu.memory_space<hbm>> -> memref<512x16xf32, #tpu.memory_space<hbm>>
      %dma_wait3A_371 = arith.constant 400 : i32
      %dma_wait3A_372 = tpu.memref_slice %arg29[%mul3A_2, %dma_wait3A_371] : memref<16384x416xf32, #tpu.memory_space<hbm>> -> memref<512x16xf32, #tpu.memory_space<hbm>>
      tpu.wait_dma2 semaphore(%run_scoped3A : memref<!tpu.dma_semaphore, #tpu.memory_space<semaphore_mem>>) src(%arg32 : memref<512x16xf32, #tpu.memory_space<vmem>>) dst(%dma_wait3A_372 : memref<512x16xf32, #tpu.memory_space<hbm>>)
      tpu.yield
    }) : () -> ()
    return
  }
}

module attributes {stable_mosaic.version = 14 : i64} {
  func.func @body(%arg0: i32, %arg1: memref<2048x16xf32, #tpu.memory_space<vmem>>, %arg2: memref<256x128xf32, #tpu.memory_space<vmem>>) attributes {dimension_semantics = [#tpu.dimension_semantics<arbitrary>], iteration_bounds = array<i64: 50>, scalar_prefetch = 0 : i64, scratch_operands = 0 : i64, tpu.core_type = #tpu.core_type<tc>, window_params = [{transform_indices = @transform_0, window_bounds = array<i64: 2048, 16>}, {transform_indices = @transform_1, window_bounds = array<i64: 256, 128>}]} {
    %get3A = arith.constant 0 : index
    %get3A_0 = arith.constant 0 : index
    %get3A_1 = tpu.strided_load %arg1[%get3A, %get3A_0] {strides = array<i32: 8, 1>} : memref<2048x16xf32, #tpu.memory_space<vmem>>, vector<256x16xf32>
    %swap3A = arith.constant 0 : index
    %swap3A_2 = arith.constant 0 : index
    %swap3A_3 = vector.load %arg2[%swap3A, %swap3A_2] : memref<256x128xf32, #tpu.memory_space<vmem>>, vector<256x16xf32>
    tpu.vector_store %arg2[%swap3A, %swap3A_2], %get3A_1 {strides = array<i32>} : memref<256x128xf32, #tpu.memory_space<vmem>>, vector<256x16xf32>,
    %get3A_4 = arith.constant 1 : index
    %get3A_5 = arith.constant 0 : index
    %get3A_6 = tpu.strided_load %arg1[%get3A_4, %get3A_5] {strides = array<i32: 8, 1>} : memref<2048x16xf32, #tpu.memory_space<vmem>>, vector<256x16xf32>
    %swap3A_7 = arith.constant 0 : index
    %swap3A_8 = arith.constant 16 : index
    %swap3A_9 = vector.load %arg2[%swap3A_7, %swap3A_8] : memref<256x128xf32, #tpu.memory_space<vmem>>, vector<256x16xf32>
    tpu.vector_store %arg2[%swap3A_7, %swap3A_8], %get3A_6 {strides = array<i32>} : memref<256x128xf32, #tpu.memory_space<vmem>>, vector<256x16xf32>,
    %get3A_10 = arith.constant 2 : index
    %get3A_11 = arith.constant 0 : index
    %get3A_12 = tpu.strided_load %arg1[%get3A_10, %get3A_11] {strides = array<i32: 8, 1>} : memref<2048x16xf32, #tpu.memory_space<vmem>>, vector<256x16xf32>
    %swap3A_13 = arith.constant 0 : index
    %swap3A_14 = arith.constant 32 : index
    %swap3A_15 = vector.load %arg2[%swap3A_13, %swap3A_14] : memref<256x128xf32, #tpu.memory_space<vmem>>, vector<256x16xf32>
    tpu.vector_store %arg2[%swap3A_13, %swap3A_14], %get3A_12 {strides = array<i32>} : memref<256x128xf32, #tpu.memory_space<vmem>>, vector<256x16xf32>,
    %get3A_16 = arith.constant 3 : index
    %get3A_17 = arith.constant 0 : index
    %get3A_18 = tpu.strided_load %arg1[%get3A_16, %get3A_17] {strides = array<i32: 8, 1>} : memref<2048x16xf32, #tpu.memory_space<vmem>>, vector<256x16xf32>
    %swap3A_19 = arith.constant 0 : index
    %swap3A_20 = arith.constant 48 : index
    %swap3A_21 = vector.load %arg2[%swap3A_19, %swap3A_20] : memref<256x128xf32, #tpu.memory_space<vmem>>, vector<256x16xf32>
    tpu.vector_store %arg2[%swap3A_19, %swap3A_20], %get3A_18 {strides = array<i32>} : memref<256x128xf32, #tpu.memory_space<vmem>>, vector<256x16xf32>,
    %get3A_22 = arith.constant 4 : index
    %get3A_23 = arith.constant 0 : index
    %get3A_24 = tpu.strided_load %arg1[%get3A_22, %get3A_23] {strides = array<i32: 8, 1>} : memref<2048x16xf32, #tpu.memory_space<vmem>>, vector<256x16xf32>
    %swap3A_25 = arith.constant 0 : index
    %swap3A_26 = arith.constant 64 : index
    %swap3A_27 = vector.load %arg2[%swap3A_25, %swap3A_26] : memref<256x128xf32, #tpu.memory_space<vmem>>, vector<256x16xf32>
    tpu.vector_store %arg2[%swap3A_25, %swap3A_26], %get3A_24 {strides = array<i32>} : memref<256x128xf32, #tpu.memory_space<vmem>>, vector<256x16xf32>,
    %get3A_28 = arith.constant 5 : index
    %get3A_29 = arith.constant 0 : index
    %get3A_30 = tpu.strided_load %arg1[%get3A_28, %get3A_29] {strides = array<i32: 8, 1>} : memref<2048x16xf32, #tpu.memory_space<vmem>>, vector<256x16xf32>
    %swap3A_31 = arith.constant 0 : index
    %swap3A_32 = arith.constant 80 : index
    %swap3A_33 = vector.load %arg2[%swap3A_31, %swap3A_32] : memref<256x128xf32, #tpu.memory_space<vmem>>, vector<256x16xf32>
    tpu.vector_store %arg2[%swap3A_31, %swap3A_32], %get3A_30 {strides = array<i32>} : memref<256x128xf32, #tpu.memory_space<vmem>>, vector<256x16xf32>,
    %get3A_34 = arith.constant 6 : index
    %get3A_35 = arith.constant 0 : index
    %get3A_36 = tpu.strided_load %arg1[%get3A_34, %get3A_35] {strides = array<i32: 8, 1>} : memref<2048x16xf32, #tpu.memory_space<vmem>>, vector<256x16xf32>
    %swap3A_37 = arith.constant 0 : index
    %swap3A_38 = arith.constant 96 : index
    %swap3A_39 = vector.load %arg2[%swap3A_37, %swap3A_38] : memref<256x128xf32, #tpu.memory_space<vmem>>, vector<256x16xf32>
    tpu.vector_store %arg2[%swap3A_37, %swap3A_38], %get3A_36 {strides = array<i32>} : memref<256x128xf32, #tpu.memory_space<vmem>>, vector<256x16xf32>,
    %get3A_40 = arith.constant 7 : index
    %get3A_41 = arith.constant 0 : index
    %get3A_42 = tpu.strided_load %arg1[%get3A_40, %get3A_41] {strides = array<i32: 8, 1>} : memref<2048x16xf32, #tpu.memory_space<vmem>>, vector<256x16xf32>
    %swap3A_43 = arith.constant 0 : index
    %swap3A_44 = arith.constant 112 : index
    %swap3A_45 = vector.load %arg2[%swap3A_43, %swap3A_44] : memref<256x128xf32, #tpu.memory_space<vmem>>, vector<256x16xf32>
    tpu.vector_store %arg2[%swap3A_43, %swap3A_44], %get3A_42 {strides = array<i32>} : memref<256x128xf32, #tpu.memory_space<vmem>>, vector<256x16xf32>,
    return
  }
  func.func @transform_0(%arg0: i32) -> (i32, i32) {
    %c0_i32 = arith.constant 0 : i32
    %c0_i32_0 = arith.constant 0 : i32
    return %arg0, %c0_i32 : i32, i32
  }
  func.func @transform_1(%arg0: i32) -> (i32, i32) {
    %c0_i32 = arith.constant 0 : i32
    %c0_i32_0 = arith.constant 0 : i32
    return %arg0, %c0_i32 : i32, i32
  }
}

module attributes {stable_mosaic.version = 14 : i64} {
  func.func @body(%arg0: i32, %arg1: memref<2048x416xf32, #tpu.memory_space<vmem>>, %arg2: memref<2048x4xf32, #tpu.memory_space<vmem>>, %arg3: memref<4x64xf32, #tpu.memory_space<vmem>>, %arg4: memref<1x64xf32, #tpu.memory_space<vmem>>, %arg5: memref<416x256xf32, #tpu.memory_space<vmem>>, %arg6: memref<64x256xf32, #tpu.memory_space<vmem>>, %arg7: memref<1x256xf32, #tpu.memory_space<vmem>>, %arg8: memref<256x1xf32, #tpu.memory_space<vmem>>, %arg9: memref<1x1xf32, #tpu.memory_space<vmem>>, %arg10: memref<2048x1xf32, #tpu.memory_space<vmem>>) attributes {dimension_semantics = [#tpu.dimension_semantics<arbitrary>], iteration_bounds = array<i64: 8>, scalar_prefetch = 0 : i64, scratch_operands = 0 : i64, tpu.core_type = #tpu.core_type<tc>, window_params = [{transform_indices = @transform_0, window_bounds = array<i64: 2048, 416>}, {transform_indices = @transform_1, window_bounds = array<i64: 2048, 4>}, {pipeline_mode = #tpu.pipeline_mode<synchronous>, transform_indices = @transform_2, window_bounds = array<i64: 4, 64>}, {pipeline_mode = #tpu.pipeline_mode<synchronous>, transform_indices = @transform_3, window_bounds = array<i64: 1, 64>}, {pipeline_mode = #tpu.pipeline_mode<synchronous>, transform_indices = @transform_4, window_bounds = array<i64: 416, 256>}, {pipeline_mode = #tpu.pipeline_mode<synchronous>, transform_indices = @transform_5, window_bounds = array<i64: 64, 256>}, {pipeline_mode = #tpu.pipeline_mode<synchronous>, transform_indices = @transform_6, window_bounds = array<i64: 1, 256>}, {pipeline_mode = #tpu.pipeline_mode<synchronous>, transform_indices = @transform_7, window_bounds = array<i64: 256, 1>}, {pipeline_mode = #tpu.pipeline_mode<synchronous>, transform_indices = @transform_8, window_bounds = array<i64: 1, 1>}, {transform_indices = @transform_9, window_bounds = array<i64: 2048, 1>}]} {
    %get3A = arith.constant 0 : index
    %get3A_0 = arith.constant 0 : index
    %get3A_1 = vector.load %arg1[%get3A, %get3A_0] : memref<2048x416xf32, #tpu.memory_space<vmem>>, vector<2048x416xf32>
    %iota3A = tpu.iota {dimensions = array<i32: 1>} : vector<2048x416xi32>
    %lt3A = arith.constant 16 : i32
    %lt3A_2 = vector.broadcast %lt3A : i32 to vector<2048x416xi32>
    %lt3A_3 = arith.cmpi slt, %iota3A, %lt3A_2 : vector<2048x416xi32>
    %max3A = arith.constant 0.000000e+00 : f32
    %max3A_4 = vector.broadcast %max3A : f32 to vector<2048x416xf32>
    %max3A_5 = arith.maximumf %get3A_1, %max3A_4 : vector<2048x416xf32>
    %select_n3A = arith.select %lt3A_3, %get3A_1, %max3A_5 : vector<2048x416xi1>, vector<2048x416xf32>
    %get3A_6 = arith.constant 0 : index
    %get3A_7 = arith.constant 0 : index
    %get3A_8 = vector.load %arg2[%get3A_6, %get3A_7] : memref<2048x4xf32, #tpu.memory_space<vmem>>, vector<2048x4xf32>
    %get3A_9 = arith.constant 0 : index
    %get3A_10 = arith.constant 0 : index
    %get3A_11 = vector.load %arg3[%get3A_9, %get3A_10] : memref<4x64xf32, #tpu.memory_space<vmem>>, vector<4x64xf32>
    %dot_general3A = arith.constant dense<0.000000e+00> : vector<2048x64xf32>
    %dot_general3A_12 = tpu.matmul %get3A_8, %get3A_11, %dot_general3A {dimension_numbers = #tpu.dot_dimension_numbers<[1], [0], [0], [1], [0, 0, 1, 1], [], []>, transpose_lhs_hint = false} : vector<2048x4xf32>, vector<4x64xf32>, vector<2048x64xf32> -> vector<2048x64xf32>
    %get3A_13 = arith.constant 0 : index
    %get3A_14 = arith.constant 0 : index
    %get3A_15 = vector.load %arg4[%get3A_13, %get3A_14] : memref<1x64xf32, #tpu.memory_space<vmem>>, vector<1x64xf32>
    %add3A = vector.broadcast %get3A_15 : vector<1x64xf32> to vector<2048x64xf32>
    %add3A_16 = arith.addf %dot_general3A_12, %add3A : vector<2048x64xf32>
    %max3A_17 = arith.constant 0.000000e+00 : f32
    %max3A_18 = vector.broadcast %max3A_17 : f32 to vector<2048x64xf32>
    %max3A_19 = arith.maximumf %add3A_16, %max3A_18 : vector<2048x64xf32>
    %get3A_20 = arith.constant 0 : index
    %get3A_21 = arith.constant 0 : index
    %get3A_22 = vector.load %arg5[%get3A_20, %get3A_21] : memref<416x256xf32, #tpu.memory_space<vmem>>, vector<416x256xf32>
    %dot_general3A_23 = arith.constant dense<0.000000e+00> : vector<2048x256xf32>
    %dot_general3A_24 = tpu.matmul %select_n3A, %get3A_22, %dot_general3A_23 {dimension_numbers = #tpu.dot_dimension_numbers<[1], [0], [0], [1], [0, 0, 1, 1], [], []>, transpose_lhs_hint = false} : vector<2048x416xf32>, vector<416x256xf32>, vector<2048x256xf32> -> vector<2048x256xf32>
    %get3A_25 = arith.constant 0 : index
    %get3A_26 = arith.constant 0 : index
    %get3A_27 = vector.load %arg6[%get3A_25, %get3A_26] : memref<64x256xf32, #tpu.memory_space<vmem>>, vector<64x256xf32>
    %dot_general3A_28 = arith.constant dense<0.000000e+00> : vector<2048x256xf32>
    %dot_general3A_29 = tpu.matmul %max3A_19, %get3A_27, %dot_general3A_28 {dimension_numbers = #tpu.dot_dimension_numbers<[1], [0], [0], [1], [0, 0, 1, 1], [], []>, transpose_lhs_hint = false} : vector<2048x64xf32>, vector<64x256xf32>, vector<2048x256xf32> -> vector<2048x256xf32>
    %add3A_30 = arith.addf %dot_general3A_24, %dot_general3A_29 : vector<2048x256xf32>
    %get3A_31 = arith.constant 0 : index
    %get3A_32 = arith.constant 0 : index
    %get3A_33 = vector.load %arg7[%get3A_31, %get3A_32] : memref<1x256xf32, #tpu.memory_space<vmem>>, vector<1x256xf32>
    %add3A_34 = vector.broadcast %get3A_33 : vector<1x256xf32> to vector<2048x256xf32>
    %add3A_35 = arith.addf %add3A_30, %add3A_34 : vector<2048x256xf32>
    %max3A_36 = arith.constant 0.000000e+00 : f32
    %max3A_37 = vector.broadcast %max3A_36 : f32 to vector<2048x256xf32>
    %max3A_38 = arith.maximumf %add3A_35, %max3A_37 : vector<2048x256xf32>
    %get3A_39 = arith.constant 0 : index
    %get3A_40 = arith.constant 0 : index
    %get3A_41 = vector.load %arg8[%get3A_39, %get3A_40] : memref<256x1xf32, #tpu.memory_space<vmem>>, vector<256x1xf32>
    %dot_general3A_42 = arith.constant dense<0.000000e+00> : vector<2048x1xf32>
    %dot_general3A_43 = tpu.matmul %max3A_38, %get3A_41, %dot_general3A_42 {dimension_numbers = #tpu.dot_dimension_numbers<[1], [0], [0], [1], [0, 0, 1, 1], [], []>, transpose_lhs_hint = false} : vector<2048x256xf32>, vector<256x1xf32>, vector<2048x1xf32> -> vector<2048x1xf32>
    %get3A_44 = arith.constant 0 : index
    %get3A_45 = arith.constant 0 : index
    %get3A_46 = vector.load %arg9[%get3A_44, %get3A_45] : memref<1x1xf32, #tpu.memory_space<vmem>>, vector<1x1xf32>
    %add3A_47 = vector.broadcast %get3A_46 : vector<1x1xf32> to vector<2048x1xf32>
    %add3A_48 = arith.addf %dot_general3A_43, %add3A_47 : vector<2048x1xf32>
    %exp3A = math.exp %add3A_48 : vector<2048x1xf32>
    %swap3A = arith.constant 0 : index
    %swap3A_49 = arith.constant 0 : index
    %swap3A_50 = vector.load %arg10[%swap3A, %swap3A_49] : memref<2048x1xf32, #tpu.memory_space<vmem>>, vector<2048x1xf32>
    tpu.vector_store %arg10[%swap3A, %swap3A_49], %exp3A {strides = array<i32>} : memref<2048x1xf32, #tpu.memory_space<vmem>>, vector<2048x1xf32>,
    return
  }
  func.func @transform_0(%arg0: i32) -> (i32, i32) {
    %c0_i32 = arith.constant 0 : i32
    %c0_i32_0 = arith.constant 0 : i32
    return %arg0, %c0_i32 : i32, i32
  }
  func.func @transform_1(%arg0: i32) -> (i32, i32) {
    %c0_i32 = arith.constant 0 : i32
    %c0_i32_0 = arith.constant 0 : i32
    return %arg0, %c0_i32 : i32, i32
  }
  func.func @transform_2(%arg0: i32) -> (i32, i32) {
    %c0_i32 = arith.constant 0 : i32
    %c0_i32_0 = arith.constant 0 : i32
    %c0_i32_1 = arith.constant 0 : i32
    return %c0_i32, %c0_i32_0 : i32, i32
  }
  func.func @transform_3(%arg0: i32) -> (i32, i32) {
    %c0_i32 = arith.constant 0 : i32
    %c0_i32_0 = arith.constant 0 : i32
    %c0_i32_1 = arith.constant 0 : i32
    return %c0_i32, %c0_i32_0 : i32, i32
  }
  func.func @transform_4(%arg0: i32) -> (i32, i32) {
    %c0_i32 = arith.constant 0 : i32
    %c0_i32_0 = arith.constant 0 : i32
    %c0_i32_1 = arith.constant 0 : i32
    return %c0_i32, %c0_i32_0 : i32, i32
  }
  func.func @transform_5(%arg0: i32) -> (i32, i32) {
    %c0_i32 = arith.constant 0 : i32
    %c0_i32_0 = arith.constant 0 : i32
    %c0_i32_1 = arith.constant 0 : i32
    return %c0_i32, %c0_i32_0 : i32, i32
  }
  func.func @transform_6(%arg0: i32) -> (i32, i32) {
    %c0_i32 = arith.constant 0 : i32
    %c0_i32_0 = arith.constant 0 : i32
    %c0_i32_1 = arith.constant 0 : i32
    return %c0_i32, %c0_i32_0 : i32, i32
  }
  func.func @transform_7(%arg0: i32) -> (i32, i32) {
    %c0_i32 = arith.constant 0 : i32
    %c0_i32_0 = arith.constant 0 : i32
    %c0_i32_1 = arith.constant 0 : i32
    return %c0_i32, %c0_i32_0 : i32, i32
  }
  func.func @transform_8(%arg0: i32) -> (i32, i32) {
    %c0_i32 = arith.constant 0 : i32
    %c0_i32_0 = arith.constant 0 : i32
    %c0_i32_1 = arith.constant 0 : i32
    return %c0_i32, %c0_i32_0 : i32, i32
  }
  func.func @transform_9(%arg0: i32) -> (i32, i32) {
    %c0_i32 = arith.constant 0 : i32
    %c0_i32_0 = arith.constant 0 : i32
    return %arg0, %c0_i32 : i32, i32
  }
}

</mosaic_0001>

<sc_bundles>
// kernel: kernel.30.cloned.1.call-start
scs
__scs_entry_jumppad:
0x0: {  	(pc) =	sbr.rel $0x88, $3  }
0x1: {  	(tag) =	ssettag $0x0;
	lr =	simm.s32 $0x1  }
0x2: {  	[smem:$0x3F7A] =	sst lr;
	_ =	strace $0xD0000000  }
0x3: {  	_ = 	snop  }
0x4: {  	_ = 	snop  }
0x5: {  	_ = 	snop  }
0x6: {  	_ = 	snop  }
0x7: {  	_ = 	snop  }
__scs_overlays_trampoline_lowered:
0x8: {  	[smem:$0x3F89] =	sst s0  }
0x9: {  	[smem:$0x3F8A] =	sst s1  }
0xa: {  	[smem:$0x3F8B] =	sst s2  }
0xb: {  	[smem:$0x3F8C] =	sst s3  }
0xc: {  	[smem:$0x3F8D] =	sst s4  }
0xd: {  	[smem:$0x3F8E] =	sst s5  }
0xe: {  	[smem:$0x3F8F] =	sst s6  }
0xf: {  	[smem:$0x3F90] =	sst s7  }
0x10: {  	[smem:$0x3F91] =	sst s8  }
0x11: {  	[smem:$0x3F92] =	sst s9;
	s0 =	simm.s32 @!p0 $0x0  }
0x12: {  	s1 =	sld [smem:$0x3F78];
	s0 =	simm.s32 @p0 $0x1  }
0x13: {  	[smem:$0x3F93] =	sst s0;
	s0 =	simm.s32 @!p1 $0x0  }
0x14: {  	s2 =	sld [smem:$0x3F77];
	s0 =	simm.s32 @p1 $0x1  }
0x15: {  	[smem:$0x3F94] =	sst s0;
	s0 =	simm.s32 @!p2 $0x0  }
0x16: {  	s3 =	sld [smem:$0x3FDB];
	s0 =	simm.s32 @p2 $0x1  }
0x17: {  	s4 =	simm.s32 $0x1BF5;
	[smem:$0x3F96] =	sst s0  }
0x18: {  	s0 =	sld [smem:$0x3F79];
	_ =	swait.ge [sflag:s4], $0x0  }
0x19: {  	s7 =	sld [smem:$0x3F7A]  }
0x1a: {  	s8 =	sadd.s32 $0xFFFFE003, lr  }
0x1b: {  	s9 =	sadd.s32 $0xFFFFFEF7, lr;
	s5 =	simm.s32 $0xFFFFFFFF;
	p2 =	slt.u32 s8, $0xFFFFF086  }
0x1c: {  	p1 =	slt.u32 s9, $0xF7A;
	s5 =	simm.s32 @!p2 $0x0  }
0x1d: {  	s5 =	simm.s32 @p1 $0x1;
	p0 =	seq.s32 s7, s2  }
0x1e: {  	s7 =	smul.u32 @!p0 $0xF7A, s2;
	p2 =	seq.s32 @!p0 s5, $0x0  }
0x1f: {  	s9 =	smul.u32 $0xF7A, s1;
	s8 =	simm.s32 @!p0 $0x1BF5;
	p2 =	por !p2, p0  }
0x20: {  	[sflag:s8] =	ssyncset.s32 @!p0 $0xFFFFF086;
	s6 =	sadd.s32 @!p0 s3, s7;
	s7 =	simm.s32 @!p0 $0x108  }
0x21: {  	s3 =	sadd.s32 s3, s9;
	s6 =	sadd.s32 @!p0 $0x88, s6;
	s7 =	simm.s32 @p2 $0x1082  }
0x22: {  	[simem:s7], [sflag:s8] =	dma.local @!p0 [hbm:s6], $0xF7A  }
0x23: {  	s9 =	sor.u32 $0xD0000000, s2;
	s6 =	simm.s32 $0x108;
	_ =	swait.ge @!p0 [sflag:s8], $0x0  }
0x24: {  	s3 =	sadd.s32 $0x88, s3;
	s6 =	simm.s32 @!p1 $0x1082;
	[sflag:s4] =	ssyncset.s32 $0xFFFFF086  }
0x25: {  	[simem:s6], [sflag:s4] =	dma.local [hbm:s3], $0xF7A  }
0x26: {  	[smem:$0x3F7A] =	sst s1;
	(tag) =	ssettag s2;
	_ =	strace s9  }
0x27: {  	s1 =	sld [smem:$0x3F8A]  }
0x28: {  	s2 =	sld [smem:$0x3F8B]  }
0x29: {  	s4 =	sld [smem:$0x3F8D]  }
0x2a: {  	p0 =	seq.s32 s5, $0x0;
	s5 =	sld [smem:$0x3F8E]  }
0x2b: {  	s6 =	sld [smem:$0x3F8F]  }
0x2c: {  	s7 =	sld [smem:$0x3F90]  }
0x2d: {  	s3 =	simm.s32 $0x108;
	s8 =	sld [smem:$0x3F91]  }
0x2e: {  	s3 =	simm.s32 @!p0 $0x1082;
	s9 =	sld [smem:$0x3F92]  }
0x2f: {  	lr =	sadd.s32 s0, s3;
	s0 =	sld [smem:$0x3F89]  }
0x30: {  	s3 =	sld [smem:$0x3F8C]  }
0x31: {  	[smem:$0x3F95] =	sst s10  }
0x32: {  	s10 =	sld [smem:$0x3F93];
	_ =	sdelay $0x3  }
0x33: {  	p0 =	seq.s32 s10, $0x1;
	s10 =	sld [smem:$0x3F95];
	_ =	sdelay $0x3  }
0x34: {  	[smem:$0x3F95] =	sst s10  }
0x35: {  	s10 =	sld [smem:$0x3F94];
	_ =	sdelay $0x3  }
0x36: {  	p1 =	seq.s32 s10, $0x1;
	s10 =	sld [smem:$0x3F95];
	_ =	sdelay $0x3  }
0x37: {  	[smem:$0x3F95] =	sst s10  }
0x38: {  	s10 =	sld [smem:$0x3F96]  }
0x39: {  	_ = 	snop;
	(pc) =	sbr.ind lr, $3  }
0x3a: {  	_ = 	snop  }
0x3b: {  	_ = 	snop  }
0x3c: {  	p2 =	seq.s32 s10, $0x1;
	s10 =	sld [smem:$0x3F95]  }
0x3d: {  	_ =	shalt  }
0x3e: {  	_ =	shalt  }
0x3f: {  	_ =	shalt  }
0x40: {  	_ =	shalt  }
0x41: {  	_ =	shalt  }
0x42: {  	_ =	shalt  }
0x43: {  	_ =	shalt  }
0x44: {  	_ =	shalt  }
0x45: {  	_ =	shalt  }
0x46: {  	_ =	shalt  }
0x47: {  	_ =	shalt  }
0x48: {  	_ =	shalt  }
0x49: {  	_ =	shalt  }
0x4a: {  	_ =	shalt  }
0x4b: {  	_ =	shalt  }
0x4c: {  	_ =	shalt  }
0x4d: {  	_ =	shalt  }
0x4e: {  	_ =	shalt  }
0x4f: {  	_ =	shalt  }
0x50: {  	_ =	shalt  }
0x51: {  	_ =	shalt  }
0x52: {  	_ =	shalt  }
0x53: {  	_ =	shalt  }
0x54: {  	_ =	shalt  }
0x55: {  	_ =	shalt  }
0x56: {  	_ =	shalt  }
0x57: {  	_ =	shalt  }
0x58: {  	_ =	shalt  }
0x59: {  	_ =	shalt  }
0x5a: {  	_ =	shalt  }
0x5b: {  	_ =	shalt  }
0x5c: {  	_ =	shalt  }
0x5d: {  	_ =	shalt  }
0x5e: {  	_ =	shalt  }
0x5f: {  	_ =	shalt  }
0x60: {  	_ =	shalt  }
0x61: {  	_ =	shalt  }
0x62: {  	_ =	shalt  }
0x63: {  	_ =	shalt  }
0x64: {  	_ =	shalt  }
0x65: {  	_ =	shalt  }
0x66: {  	_ =	shalt  }
0x67: {  	_ =	shalt  }
0x68: {  	_ =	shalt  }
0x69: {  	_ =	shalt  }
0x6a: {  	_ =	shalt  }
0x6b: {  	_ =	shalt  }
0x6c: {  	_ =	shalt  }
0x6d: {  	_ =	shalt  }
0x6e: {  	_ =	shalt  }
0x6f: {  	_ =	shalt  }
0x70: {  	_ =	shalt  }
0x71: {  	_ =	shalt  }
0x72: {  	_ =	shalt  }
0x73: {  	_ =	shalt  }
0x74: {  	_ =	shalt  }
0x75: {  	_ =	shalt  }
0x76: {  	_ =	shalt  }
0x77: {  	_ =	shalt  }
0x78: {  	_ =	shalt  }
0x79: {  	_ =	shalt  }
0x7a: {  	_ =	shalt  }
0x7b: {  	_ =	shalt  }
0x7c: {  	_ =	shalt  }
0x7d: {  	_ =	shalt  }
0x7e: {  	_ =	shalt  }
0x7f: {  	_ =	shalt  }
0x80: {  	_ =	shalt  }
0x81: {  	_ =	shalt  }
0x82: {  	_ =	shalt  }
0x83: {  	_ =	shalt  }
0x84: {  	_ =	shalt  }
0x85: {  	_ =	shalt  }
0x86: {  	_ =	shalt  }
0x87: {  	_ =	shalt  }
.Lfunc_end0:
.L_simem_size_0:
called_computation_lowered:
.L_overlay_start_0:
0x88: {  	s2 =	sld [smem:$0x3FD9]  }
0x89: {  	s3 =	sld [smem:$0x3FFE];
	_ =	sdelay $0x1  }
0x8a: {  	s1 =	srdreg.scid  }
0x8b: {  	s0 =	sand.u32 $0x1, s1  }
0x8c: {  	s16 =	sshll.u32 s0, $0xA;
	s2 =	sadd.s32 s3, s2  }
0x8d: {  	s2 =	sadd.s32 s2, s16  }
0x8e: {  	[smem:$0x3FA1] =	sst s2  }
0x8f: {  	_ = 	snop  }
0x90: {  	(tm) =	ssettm $0x1  }
0x91: {  	s17 =	sld [smem:$0x3FFB];
	_ =	sdelay $0x3  }
0x92: {  	_ =	strace s17  }
0x93: {  	s2 =	sld [smem:$0x3FFC];
	_ =	sdelay $0x3  }
0x94: {  	_ =	strace s2  }
0x95: {  	s2 =	sld [smem:$0x3FFD];
	_ =	sdelay $0x3  }
0x96: {  	_ =	strace s2  }
0x97: {  	_ =	strace $0x8FFFFFFF  }
0x98: {  	s18 =	sld [smem:$0x3FDB];
	_ =	sdelay $0x1  }
0x99: {  	s19 =	simm.s32 $_scs_section_size  }
0x9a: {  	s4 =	simm.s32 $_size__tile_overlayer_lowered;
	s5 =	simm.s32 $_tile_overlayer_lowered  }
0x9b: {  	s22 =	simm.s32 $0x1BFF;
	s21 =	sshll.u32 s5, $0x1;
	s2 =	sadd.s32 s19, s18  }
0x9c: {  	s6 =	simm.s32 $0x0;
	s20 =	sshll.u32 s4, $0x1;
	s4 =	sadd.s32 s21, s2  }
0x9d: {  	[timem:s6], [sflag:s22] =	dma.local [hbm:s4], s20  }
0x9e: {  	_ =	swait.ge [sflag:s22], s20  }
0x9f: {  	s3 =	ssub.s32 $0x0, s20;
	[sflag:s22] =	ssyncset.done $0x0  }
0xa0: {  	[sflag:s22] =	ssyncadd.s32 s3;
	_ =	sdelay $0x1  }
0xa1: {  	s23 =	simm.s32 $0x1B8B  }
0xa2: {  	_ =	swait.ge [sflag:s23], $0x1  }
0xa3: {  	[sflag:s23] =	ssyncset.done $0x0  }
0xa4: {  	s25 =	simm.s32 $0x1B8E;
	s24 =	sld [smem:$0x3FFE];
	[sflag:s23] =	ssyncadd.s32 $0xFFFFFFFF  }
0xa5: {  	s26 =	simm.s32 $execute0_lowered;
	[smem:$0x3FD2] =	sst s25  }
0xa6: {  	s4 =	sshll.u32 s26, $0x1;
	_ =	strace $0x80000046;
	[dreg:$0x1] =	wrdreg $0xFFFFFFFF  }
0xa7: {  	s28 =	simm.s32 $_size_execute0_lowered;
	s2 =	sadd.s32 s2, s4;
	[dreg:$0x0] =	wrdreg $0x0  }
0xa8: {  	s4 =	sshll.u32 s28, $0x1;
	[dreg:$0x2] =	wrdreg s2  }
0xa9: {  	[dreg:$0x3] =	wrdreg s4  }
0xaa: {  	[dreg:$0x4] =	wrdreg $0xC0  }
0xab: {  	_ =	task [dreg:s6], $0x5FFFF  }
0xac: {  	[dreg:$0x1] =	wrdreg $0xFFFFFFFF  }
0xad: {  	[dreg:$0x0] =	wrdreg $0x60  }
0xae: {  	[dreg:$0x2] =	wrdreg s24  }
0xaf: {  	[dreg:$0x3] =	wrdreg $0x9  }
0xb0: {  	_ =	task.clear_ibuf [dreg:s6], $0x4FFFF;
	_ =	strace $0x90000046  }
0xb1: {  	s29 =	simm.s32 $0x9;
	_ =	strace $0x80000048  }
0xb2: {  	_ =	swait.ge [sflag:s29], $0x1  }
0xb3: {  	[sflag:s29] =	ssyncadd.s32 $0xFFFFFFFF  }
0xb4: {  	_ =	strace $0x90000048  }
0xb5: {  	_ =	sfence  }
0xb6: {  	s30 =	sld [smem:$0x0];
	_ =	sdelay $0x2  }
0xb7: {  	s31 =	sshll.u32 s1, $0xD;
	s1 =	sshrl.u32 s1, $0x2  }
0xb8: {  	s3 =	sand.u32 $0x4000, s31;
	s1 =	sadd.s32 s1, s30  }
0xb9: {  	s0 =	sor.u32 s3, s0;
	s1 =	sshll.u32 s1, $0x11  }
0xba: {  	s0 =	sor.u32 s1, s0  }
0xbb: {  	s0 =	sadd.s32 $0x8F2B, s0  }
0xbc: {  	[sflag:s0] =	ssyncadd.remote.s32 $0x1  }
0xbd: {  	_ =	sfence.sel $0xFFFF  }
0xbe: {  	[dreg:$0x0] =	wrdreg $0xFFFFFFFF;
	(pc) =	sbr.abs _section_cstart, $3  }
0xbf: {  	[dreg:$0x1] =	wrdreg $0xFFFFFFFF  }
0xc0: {  	_ =	task.clear_ibuf [dreg:s6], $0x2FFFF;
	_ =	strace $0x9FFFFFFF  }
0xc1: {  	(tm) =	ssettm $0x7FFFFFFF  }
tec
execute0_lowered:
.L_overlay_start_1:
0x0: {  	(tag) =	ssettag $0x1  }
0x1: {  	s3 =	rddreg [dreg:$0x0];
	s1 =	simm.s32 $0x0  }
0x2: {  	[smem:$0x7FF] =	sst s1;
	s0 =	sadd.s32 $0x395800, s3  }
0x3: {  	s25 =	sadd.s32 $0x363800, s3;
	_ =	strace $0x80000047;
	[dreg:$0x2] =	wrdreg s0  }
0x4: {  	s26 =	sadd.s32 $0x331800, s3;
	[dreg:$0x3] =	wrdreg s25  }
0x5: {  	s2 =	sadd.s32 $0x2FF800, s3;
	[dreg:$0x4] =	wrdreg s26  }
0x6: {  	s4 =	sadd.s32 $0x2CD800, s3;
	[dreg:$0x5] =	wrdreg s2  }
0x7: {  	s5 =	sadd.s32 $0x29B800, s3;
	[dreg:$0x6] =	wrdreg s4  }
0x8: {  	s6 =	sadd.s32 $0x269800, s3;
	[dreg:$0x7] =	wrdreg s5  }
0x9: {  	s7 =	sadd.s32 $0x205800, s3;
	[dreg:$0x8] =	wrdreg s6  }
0xa: {  	s8 =	sadd.s32 $0x1D3800, s3;
	[dreg:$0x9] =	wrdreg s7  }
0xb: {  	s9 =	sadd.s32 $0x1A1800, s3;
	[dreg:$0xa] =	wrdreg s8  }
0xc: {  	s10 =	sadd.s32 $0x16F800, s3;
	[dreg:$0xb] =	wrdreg s9  }
0xd: {  	s11 =	sadd.s32 $0x13D800, s3;
	[dreg:$0xc] =	wrdreg s10  }
0xe: {  	s12 =	sadd.s32 $0x10B800, s3;
	[dreg:$0xd] =	wrdreg s11  }
0xf: {  	s13 =	sadd.s32 $0xD9800, s3;
	[dreg:$0xe] =	wrdreg s12  }
0x10: {  	s14 =	sadd.s32 $0xA7800, s3;
	[dreg:$0xf] =	wrdreg s13  }
0x11: {  	s15 =	sadd.s32 $0x75800, s3;
	[dreg:$0x10] =	wrdreg s14  }
0x12: {  	s16 =	sadd.s32 $0x43800, s3;
	[dreg:$0x11] =	wrdreg s15  }
0x13: {  	s17 =	sadd.s32 $0x4F3800, s3;
	[dreg:$0x12] =	wrdreg s16  }
0x14: {  	s18 =	sadd.s32 $0x4C1800, s3;
	s19 =	sadd.s32 $0x45D800, s3;
	[dreg:$0x13] =	wrdreg s17  }
0x15: {  	s21 =	sadd.s32 $0x42B800, s3;
	s2 =	srdreg.scid;
	[dreg:$0x14] =	wrdreg s18  }
0x16: {  	s5 =	stileid.u32;
	s4 =	sadd.s32 $0x48F800, s3;
	[dreg:$0x16] =	wrdreg s19  }
0x17: {  	[dreg:$0x17] =	wrdreg s21;
	s0 =	sand.u32 $0x1, s2;
	s20 =	sshll.u32 s5, $0x1  }
0x18: {  	s22 =	sadd.s32 $0x3F9800, s3;
	[dreg:$0x15] =	wrdreg s4;
	s4 =	sor.u32 s0, s20  }
0x19: {  	s24 =	sadd.s32 $0x3C7800, s3;
	[dreg:$0x18] =	wrdreg s22;
	s23 =	smul.u32 $0x680, s4  }
0x1a: {  	[dreg:$0x19] =	wrdreg s24;
	s25 =	sadd.s32 $0x237800, s3;
	s4 =	smul.u32 $0x6800, s4  }
0x1b: {  	s26 =	sadd.s32 $0x11800, s3;
	[dreg:$0x1a] =	wrdreg s25;
	s5 =	sadd.s32 s23, s3  }
0x1c: {  	[dreg:$0x1b] =	wrdreg s26;
	s2 =	sadd.s32 s4, s3;
	s4 =	sadd.s32 $0x525800, s5  }
0x1d: {  	s5 =	sadd.s32 $0x532800, s2;
	[dreg:$0x1c] =	wrdreg s4  }
0x1e: {  	s6 =	sadd.s32 $0x532802, s2;
	[dreg:$0x1d] =	wrdreg s5  }
0x1f: {  	s7 =	sadd.s32 $0x532804, s2;
	[dreg:$0x1e] =	wrdreg s6  }
0x20: {  	s8 =	sadd.s32 $0x532806, s2;
	[dreg:$0x1f] =	wrdreg s7  }
0x21: {  	s9 =	sadd.s32 $0x532808, s2;
	[smem:$0x7E6] =	sst s8  }
0x22: {  	s10 =	sadd.s32 $0x53280A, s2;
	[smem:$0x7E8] =	sst s9  }
0x23: {  	s11 =	sadd.s32 $0x53280C, s2;
	[smem:$0x7E9] =	sst s10  }
0x24: {  	s12 =	sadd.s32 $0x53280E, s2;
	[smem:$0x7EA] =	sst s11  }
0x25: {  	s13 =	sadd.s32 $0x532810, s2;
	[smem:$0x7EB] =	sst s12  }
0x26: {  	s14 =	sadd.s32 $0x532812, s2;
	[smem:$0x7EC] =	sst s13  }
0x27: {  	s15 =	sadd.s32 $0x532814, s2;
	[smem:$0x7ED] =	sst s14  }
0x28: {  	s16 =	sadd.s32 $0x532816, s2;
	[smem:$0x7EE] =	sst s15  }
0x29: {  	s17 =	sadd.s32 $0x532818, s2;
	[smem:$0x7EF] =	sst s16  }
0x2a: {  	s18 =	sadd.s32 $0x53281A, s2;
	[smem:$0x7F0] =	sst s17  }
0x2b: {  	s19 =	sadd.s32 $0x53281C, s2;
	[smem:$0x7F1] =	sst s18  }
0x2c: {  	s20 =	sadd.s32 $0x53281E, s2;
	[smem:$0x7F2] =	sst s19  }
0x2d: {  	s21 =	sadd.s32 $0x532820, s2;
	[smem:$0x7F3] =	sst s20  }
0x2e: {  	s22 =	sadd.s32 $0x532822, s2;
	[smem:$0x7F4] =	sst s21  }
0x2f: {  	s23 =	sadd.s32 $0x532824, s2;
	[smem:$0x7F5] =	sst s22  }
0x30: {  	s24 =	sadd.s32 $0x532826, s2;
	[smem:$0x7F6] =	sst s23  }
0x31: {  	s25 =	sadd.s32 $0x532828, s2;
	[smem:$0x7F7] =	sst s24  }
0x32: {  	s26 =	sadd.s32 $0x53282A, s2;
	[smem:$0x7F8] =	sst s25  }
0x33: {  	[smem:$0x7F9] =	sst s26;
	s4 =	sadd.s32 $0x53282C, s2  }
0x34: {  	s5 =	sadd.s32 $0x53282E, s2;
	[smem:$0x7FA] =	sst s4  }
0x35: {  	s6 =	sadd.s32 $0x532830, s2;
	[smem:$0x7FB] =	sst s5  }
0x36: {  	s2 =	sadd.s32 $0x532832, s2;
	[smem:$0x7FC] =	sst s6  }
0x37: {  	s7 =	simm.s32 $0x400;
	[smem:$0x7FD] =	sst s2  }
0x38: {  	s8 =	simm.s32 $0x600;
	[smem:$0x7E3] =	sst s7  }
0x39: {  	[smem:$0x7E4] =	sst s8  }
0x3a: {  	s9 =	simm.s32 $0x800;
	s10 =	rddreg [dreg:$0x1c]  }
0x3b: {  	s11 =	simm.s32 $0xA00;
	[smem:$0x7E5] =	sst s9  }
0x3c: {  	s3 =	simm.s32 $0x3;
	[smem:$0x7E7] =	sst s11  }
0x3d: {  	[tilespmem:s1], [sflag:$0x3] =	stream.linear.gather [hbm4b:s10+s1], $0x3400, $0x38;
	[tilespmem:$0x7400] =	vst v63  }
0x3e: {  	_ =	swait.ge [sflag:s3], $0x3400  }
0x3f: {  	s4 =	simm.s32 $0x200;
	[sflag:s3] =	ssyncset.done $0x0  }
0x40: {  	s5 =	simm.s32 $0x3400;
	s12 =	rddreg [dreg:$0x2];
	[sflag:s3] =	ssyncadd.s32 $0xFFFFCC00  }
0x41: {  	[tilespmem:s5], [sflag:$0x1] =	stream.indirect.gather [hbm4b:s12+s4], $0x10, s1, s4, $0xb8;
	[tilespmem:$0x7400] =	vst v63  }
0x42: {  	s6 =	simm.s32 $0x5400;
	s7 =	simm.s32 $0x1;
	s8 =	rddreg [dreg:$0x3]  }
0x43: {  	[tilespmem:s6], [sflag:$0x2] =	stream.indirect.gather [hbm4b:s8+s4], $0x10, s4, s4, $0xb8;
	[tilespmem:$0x7400] =	vst v63  }
0x44: {  	_ =	swait.ge [sflag:s7], $0x2000  }
0x45: {  	s9 =	simm.s32 $0x1A0;
	[sflag:s7] =	ssyncset.done $0x0  }
0x46: {  	s8 =	simm.s32 $0x10;
	s13 =	rddreg [dreg:$0x1d];
	[sflag:s7] =	ssyncadd.s32 $0xFFFFE000  }
0x47: {  	[hbm4b:s13+s8] =	stream.strided.scatter [tilespmem:s5], [sflag:$0x3], $0x2000, s9, s8, $0x38;
	[tilespmem:$0x7400] =	vst v63  }
0x48: {  	_ =	swait.ge [sflag:s3], $0x2000  }
0x49: {  	s11 =	sld [smem:$0x7E3]  }
0x4a: {  	[sflag:s3] =	ssyncset.done $0x0  }
0x4b: {  	s10 =	simm.s32 $0x2;
	s14 =	rddreg [dreg:$0x4];
	[sflag:s3] =	ssyncadd.s32 $0xFFFFE000  }
0x4c: {  	[tilespmem:s5], [sflag:$0x1] =	stream.indirect.gather [hbm4b:s14+s4], $0x10, s11, s4, $0xb8;
	[tilespmem:$0x7400] =	vst v63  }
0x4d: {  	_ =	swait.ge [sflag:s10], $0x2000  }
0x4e: {  	[sflag:s10] =	ssyncset.done $0x0  }
0x4f: {  	s15 =	rddreg [dreg:$0x1e];
	[sflag:s10] =	ssyncadd.s32 $0xFFFFE000  }
0x50: {  	[hbm4b:s15+s8] =	stream.strided.scatter [tilespmem:s6], [sflag:$0x3], $0x2000, s9, s8, $0x38;
	[tilespmem:$0x7400] =	vst v63  }
0x51: {  	_ =	swait.ge [sflag:s3], $0x2000  }
0x52: {  	s17 =	sld [smem:$0x7E4]  }
0x53: {  	[sflag:s3] =	ssyncset.done $0x0  }
0x54: {  	s16 =	rddreg [dreg:$0x5];
	[sflag:s3] =	ssyncadd.s32 $0xFFFFE000  }
0x55: {  	[tilespmem:s6], [sflag:$0x2] =	stream.indirect.gather [hbm4b:s16+s4], $0x10, s17, s4, $0xb8;
	[tilespmem:$0x7400] =	vst v63  }
0x56: {  	_ =	swait.ge [sflag:s7], $0x2000  }
0x57: {  	[sflag:s7] =	ssyncset.done $0x0  }
0x58: {  	s18 =	rddreg [dreg:$0x1f];
	[sflag:s7] =	ssyncadd.s32 $0xFFFFE000  }
0x59: {  	[hbm4b:s18+s8] =	stream.strided.scatter [tilespmem:s5], [sflag:$0x3], $0x2000, s9, s8, $0x38;
	[tilespmem:$0x7400] =	vst v63  }
0x5a: {  	_ =	swait.ge [sflag:s3], $0x2000  }
0x5b: {  	s20 =	sld [smem:$0x7E5]  }
0x5c: {  	[sflag:s3] =	ssyncset.done $0x0  }
0x5d: {  	s19 =	rddreg [dreg:$0x6];
	[sflag:s3] =	ssyncadd.s32 $0xFFFFE000  }
0x5e: {  	[tilespmem:s5], [sflag:$0x1] =	stream.indirect.gather [hbm4b:s19+s4], $0x10, s20, s4, $0xb8;
	[tilespmem:$0x7400] =	vst v63  }
0x5f: {  	_ =	swait.ge [sflag:s10], $0x2000  }
0x60: {  	s21 =	sld [smem:$0x7E6]  }
0x61: {  	[sflag:s10] =	ssyncset.done $0x0  }
0x62: {  	[sflag:s10] =	ssyncadd.s32 $0xFFFFE000  }
0x63: {  	[hbm4b:s21+s8] =	stream.strided.scatter [tilespmem:s6], [sflag:$0x3], $0x2000, s9, s8, $0x38;
	[tilespmem:$0x7400] =	vst v63  }
0x64: {  	_ =	swait.ge [sflag:s3], $0x2000  }
0x65: {  	s23 =	sld [smem:$0x7E7]  }
0x66: {  	[sflag:s3] =	ssyncset.done $0x0  }
0x67: {  	s22 =	rddreg [dreg:$0x7];
	[sflag:s3] =	ssyncadd.s32 $0xFFFFE000  }
0x68: {  	[tilespmem:s6], [sflag:$0x2] =	stream.indirect.gather [hbm4b:s22+s4], $0x10, s23, s4, $0xb8;
	[tilespmem:$0x7400] =	vst v63  }
0x69: {  	_ =	swait.ge [sflag:s7], $0x2000  }
0x6a: {  	s24 =	sld [smem:$0x7E8]  }
0x6b: {  	[sflag:s7] =	ssyncset.done $0x0  }
0x6c: {  	[sflag:s7] =	ssyncadd.s32 $0xFFFFE000  }
0x6d: {  	[hbm4b:s24+s8] =	stream.strided.scatter [tilespmem:s5], [sflag:$0x3], $0x2000, s9, s8, $0x38;
	[tilespmem:$0x7400] =	vst v63  }
0x6e: {  	_ =	swait.ge [sflag:s3], $0x2000  }
0x6f: {  	[sflag:s3] =	ssyncset.done $0x0  }
0x70: {  	s26 =	simm.s32 $0xC00;
	s25 =	rddreg [dreg:$0x8];
	[sflag:s3] =	ssyncadd.s32 $0xFFFFE000  }
0x71: {  	[tilespmem:s5], [sflag:$0x1] =	stream.indirect.gather [hbm4b:s25+s4], $0x10, s26, s4, $0xb8;
	[tilespmem:$0x7400] =	vst v63  }
0x72: {  	_ =	swait.ge [sflag:s10], $0x2000  }
0x73: {  	s12 =	sld [smem:$0x7E9]  }
0x74: {  	[sflag:s10] =	ssyncset.done $0x0  }
0x75: {  	[sflag:s10] =	ssyncadd.s32 $0xFFFFE000  }
0x76: {  	[hbm4b:s12+s8] =	stream.strided.scatter [tilespmem:s6], [sflag:$0x3], $0x2000, s9, s8, $0x38;
	[tilespmem:$0x7400] =	vst v63  }
0x77: {  	_ =	swait.ge [sflag:s3], $0x2000  }
0x78: {  	[sflag:s3] =	ssyncset.done $0x0  }
0x79: {  	s12 =	simm.s32 $0xE00;
	s13 =	rddreg [dreg:$0x9];
	[sflag:s3] =	ssyncadd.s32 $0xFFFFE000  }
0x7a: {  	[tilespmem:s6], [sflag:$0x2] =	stream.indirect.gather [hbm4b:s13+s4], $0x10, s12, s4, $0xb8;
	[tilespmem:$0x7400] =	vst v63  }
0x7b: {  	_ =	swait.ge [sflag:s7], $0x2000  }
0x7c: {  	s14 =	sld [smem:$0x7EA]  }
0x7d: {  	[sflag:s7] =	ssyncset.done $0x0  }
0x7e: {  	[sflag:s7] =	ssyncadd.s32 $0xFFFFE000  }
0x7f: {  	[hbm4b:s14+s8] =	stream.strided.scatter [tilespmem:s5], [sflag:$0x3], $0x2000, s9, s8, $0x38;
	[tilespmem:$0x7400] =	vst v63  }
0x80: {  	_ =	swait.ge [sflag:s3], $0x2000  }
0x81: {  	[sflag:s3] =	ssyncset.done $0x0  }
0x82: {  	s13 =	simm.s32 $0x1000;
	s15 =	rddreg [dreg:$0xa];
	[sflag:s3] =	ssyncadd.s32 $0xFFFFE000  }
0x83: {  	[tilespmem:s5], [sflag:$0x1] =	stream.indirect.gather [hbm4b:s15+s4], $0x10, s13, s4, $0xb8;
	[tilespmem:$0x7400] =	vst v63  }
0x84: {  	_ =	swait.ge [sflag:s10], $0x2000  }
0x85: {  	s16 =	sld [smem:$0x7EB]  }
0x86: {  	[sflag:s10] =	ssyncset.done $0x0  }
0x87: {  	[sflag:s10] =	ssyncadd.s32 $0xFFFFE000  }
0x88: {  	[hbm4b:s16+s8] =	stream.strided.scatter [tilespmem:s6], [sflag:$0x3], $0x2000, s9, s8, $0x38;
	[tilespmem:$0x7400] =	vst v63  }
0x89: {  	_ =	swait.ge [sflag:s3], $0x2000  }
0x8a: {  	[sflag:s3] =	ssyncset.done $0x0  }
0x8b: {  	s14 =	simm.s32 $0x1200;
	s17 =	rddreg [dreg:$0xb];
	[sflag:s3] =	ssyncadd.s32 $0xFFFFE000  }
0x8c: {  	[tilespmem:s6], [sflag:$0x2] =	stream.indirect.gather [hbm4b:s17+s4], $0x10, s14, s4, $0xb8;
	[tilespmem:$0x7400] =	vst v63  }
0x8d: {  	_ =	swait.ge [sflag:s7], $0x2000  }
0x8e: {  	s18 =	sld [smem:$0x7EC]  }
0x8f: {  	[sflag:s7] =	ssyncset.done $0x0  }
0x90: {  	[sflag:s7] =	ssyncadd.s32 $0xFFFFE000  }
0x91: {  	[hbm4b:s18+s8] =	stream.strided.scatter [tilespmem:s5], [sflag:$0x3], $0x2000, s9, s8, $0x38;
	[tilespmem:$0x7400] =	vst v63  }
0x92: {  	_ =	swait.ge [sflag:s3], $0x2000  }
0x93: {  	[sflag:s3] =	ssyncset.done $0x0  }
0x94: {  	s15 =	simm.s32 $0x1400;
	s19 =	rddreg [dreg:$0xc];
	[sflag:s3] =	ssyncadd.s32 $0xFFFFE000  }
0x95: {  	[tilespmem:s5], [sflag:$0x1] =	stream.indirect.gather [hbm4b:s19+s4], $0x10, s15, s4, $0xb8;
	[tilespmem:$0x7400] =	vst v63  }
0x96: {  	_ =	swait.ge [sflag:s10], $0x2000  }
0x97: {  	s20 =	sld [smem:$0x7ED]  }
0x98: {  	[sflag:s10] =	ssyncset.done $0x0  }
0x99: {  	[sflag:s10] =	ssyncadd.s32 $0xFFFFE000  }
0x9a: {  	[hbm4b:s20+s8] =	stream.strided.scatter [tilespmem:s6], [sflag:$0x3], $0x2000, s9, s8, $0x38;
	[tilespmem:$0x7400] =	vst v63  }
0x9b: {  	_ =	swait.ge [sflag:s3], $0x2000  }
0x9c: {  	[sflag:s3] =	ssyncset.done $0x0  }
0x9d: {  	s16 =	simm.s32 $0x1600;
	s21 =	rddreg [dreg:$0xd];
	[sflag:s3] =	ssyncadd.s32 $0xFFFFE000  }
0x9e: {  	[tilespmem:s6], [sflag:$0x2] =	stream.indirect.gather [hbm4b:s21+s4], $0x10, s16, s4, $0xb8;
	[tilespmem:$0x7400] =	vst v63  }
0x9f: {  	_ =	swait.ge [sflag:s7], $0x2000  }
0xa0: {  	s22 =	sld [smem:$0x7EE]  }
0xa1: {  	[sflag:s7] =	ssyncset.done $0x0  }
0xa2: {  	[sflag:s7] =	ssyncadd.s32 $0xFFFFE000  }
0xa3: {  	[hbm4b:s22+s8] =	stream.strided.scatter [tilespmem:s5], [sflag:$0x3], $0x2000, s9, s8, $0x38;
	[tilespmem:$0x7400] =	vst v63  }
0xa4: {  	_ =	swait.ge [sflag:s3], $0x2000  }
0xa5: {  	[sflag:s3] =	ssyncset.done $0x0  }
0xa6: {  	s17 =	simm.s32 $0x1800;
	s23 =	rddreg [dreg:$0xe];
	[sflag:s3] =	ssyncadd.s32 $0xFFFFE000  }
0xa7: {  	[tilespmem:s5], [sflag:$0x1] =	stream.indirect.gather [hbm4b:s23+s4], $0x10, s17, s4, $0xb8;
	[tilespmem:$0x7400] =	vst v63  }
0xa8: {  	_ =	swait.ge [sflag:s10], $0x2000  }
0xa9: {  	s24 =	sld [smem:$0x7EF]  }
0xaa: {  	[sflag:s10] =	ssyncset.done $0x0  }
0xab: {  	[sflag:s10] =	ssyncadd.s32 $0xFFFFE000  }
0xac: {  	[hbm4b:s24+s8] =	stream.strided.scatter [tilespmem:s6], [sflag:$0x3], $0x2000, s9, s8, $0x38;
	[tilespmem:$0x7400] =	vst v63  }
0xad: {  	_ =	swait.ge [sflag:s3], $0x2000  }
0xae: {  	[sflag:s3] =	ssyncset.done $0x0  }
0xaf: {  	s18 =	simm.s32 $0x1A00;
	s25 =	rddreg [dreg:$0xf];
	[sflag:s3] =	ssyncadd.s32 $0xFFFFE000  }
0xb0: {  	[tilespmem:s6], [sflag:$0x2] =	stream.indirect.gather [hbm4b:s25+s4], $0x10, s18, s4, $0xb8;
	[tilespmem:$0x7400] =	vst v63  }
0xb1: {  	_ =	swait.ge [sflag:s7], $0x2000  }
0xb2: {  	s26 =	sld [smem:$0x7F0]  }
0xb3: {  	[sflag:s7] =	ssyncset.done $0x0  }
0xb4: {  	[sflag:s7] =	ssyncadd.s32 $0xFFFFE000  }
0xb5: {  	[hbm4b:s26+s8] =	stream.strided.scatter [tilespmem:s5], [sflag:$0x3], $0x2000, s9, s8, $0x38;
	[tilespmem:$0x7400] =	vst v63  }
0xb6: {  	_ =	swait.ge [sflag:s3], $0x2000  }
0xb7: {  	[sflag:s3] =	ssyncset.done $0x0  }
0xb8: {  	s19 =	simm.s32 $0x1C00;
	s11 =	rddreg [dreg:$0x10];
	[sflag:s3] =	ssyncadd.s32 $0xFFFFE000  }
0xb9: {  	[tilespmem:s5], [sflag:$0x1] =	stream.indirect.gather [hbm4b:s11+s4], $0x10, s19, s4, $0xb8;
	[tilespmem:$0x7400] =	vst v63  }
0xba: {  	_ =	swait.ge [sflag:s10], $0x2000  }
0xbb: {  	s20 =	sld [smem:$0x7F1]  }
0xbc: {  	[sflag:s10] =	ssyncset.done $0x0  }
0xbd: {  	[sflag:s10] =	ssyncadd.s32 $0xFFFFE000  }
0xbe: {  	[hbm4b:s20+s8] =	stream.strided.scatter [tilespmem:s6], [sflag:$0x3], $0x2000, s9, s8, $0x38;
	[tilespmem:$0x7400] =	vst v63  }
0xbf: {  	_ =	swait.ge [sflag:s3], $0x2000  }
0xc0: {  	[sflag:s3] =	ssyncset.done $0x0  }
0xc1: {  	s20 =	simm.s32 $0x1E00;
	s21 =	rddreg [dreg:$0x11];
	[sflag:s3] =	ssyncadd.s32 $0xFFFFE000  }
0xc2: {  	[tilespmem:s6], [sflag:$0x2] =	stream.indirect.gather [hbm4b:s21+s4], $0x10, s20, s4, $0xb8;
	[tilespmem:$0x7400] =	vst v63  }
0xc3: {  	_ =	swait.ge [sflag:s7], $0x2000  }
0xc4: {  	s22 =	sld [smem:$0x7F2]  }
0xc5: {  	[sflag:s7] =	ssyncset.done $0x0  }
0xc6: {  	[sflag:s7] =	ssyncadd.s32 $0xFFFFE000  }
0xc7: {  	[hbm4b:s22+s8] =	stream.strided.scatter [tilespmem:s5], [sflag:$0x3], $0x2000, s9, s8, $0x38;
	[tilespmem:$0x7400] =	vst v63  }
0xc8: {  	_ =	swait.ge [sflag:s3], $0x2000  }
0xc9: {  	[sflag:s3] =	ssyncset.done $0x0  }
0xca: {  	s21 =	simm.s32 $0x2000;
	s23 =	rddreg [dreg:$0x12];
	[sflag:s3] =	ssyncadd.s32 $0xFFFFE000  }
0xcb: {  	[tilespmem:s5], [sflag:$0x1] =	stream.indirect.gather [hbm4b:s23+s4], $0x10, s21, s4, $0xb8;
	[tilespmem:$0x7400] =	vst v63  }
0xcc: {  	_ =	swait.ge [sflag:s10], $0x2000  }
0xcd: {  	s24 =	sld [smem:$0x7F3]  }
0xce: {  	[sflag:s10] =	ssyncset.done $0x0  }
0xcf: {  	[sflag:s10] =	ssyncadd.s32 $0xFFFFE000  }
0xd0: {  	[hbm4b:s24+s8] =	stream.strided.scatter [tilespmem:s6], [sflag:$0x3], $0x2000, s9, s8, $0x38;
	[tilespmem:$0x7400] =	vst v63  }
0xd1: {  	_ =	swait.ge [sflag:s3], $0x2000  }
0xd2: {  	[sflag:s3] =	ssyncset.done $0x0  }
0xd3: {  	s22 =	simm.s32 $0x2200;
	s25 =	rddreg [dreg:$0x13];
	[sflag:s3] =	ssyncadd.s32 $0xFFFFE000  }
0xd4: {  	[tilespmem:s6], [sflag:$0x2] =	stream.indirect.gather [hbm4b:s25+s4], $0x10, s22, s4, $0xb8;
	[tilespmem:$0x7400] =	vst v63  }
0xd5: {  	_ =	swait.ge [sflag:s7], $0x2000  }
0xd6: {  	s26 =	sld [smem:$0x7F4]  }
0xd7: {  	[sflag:s7] =	ssyncset.done $0x0  }
0xd8: {  	[sflag:s7] =	ssyncadd.s32 $0xFFFFE000  }
0xd9: {  	[hbm4b:s26+s8] =	stream.strided.scatter [tilespmem:s5], [sflag:$0x3], $0x2000, s9, s8, $0x38;
	[tilespmem:$0x7400] =	vst v63  }
0xda: {  	_ =	swait.ge [sflag:s3], $0x2000  }
0xdb: {  	[sflag:s3] =	ssyncset.done $0x0  }
0xdc: {  	s23 =	simm.s32 $0x2400;
	s11 =	rddreg [dreg:$0x14];
	[sflag:s3] =	ssyncadd.s32 $0xFFFFE000  }
0xdd: {  	[tilespmem:s5], [sflag:$0x1] =	stream.indirect.gather [hbm4b:s11+s4], $0x10, s23, s4, $0xb8;
	[tilespmem:$0x7400] =	vst v63  }
0xde: {  	_ =	swait.ge [sflag:s10], $0x2000  }
0xdf: {  	s24 =	sld [smem:$0x7F5]  }
0xe0: {  	[sflag:s10] =	ssyncset.done $0x0  }
0xe1: {  	[sflag:s10] =	ssyncadd.s32 $0xFFFFE000  }
0xe2: {  	[hbm4b:s24+s8] =	stream.strided.scatter [tilespmem:s6], [sflag:$0x3], $0x2000, s9, s8, $0x38;
	[tilespmem:$0x7400] =	vst v63  }
0xe3: {  	_ =	swait.ge [sflag:s3], $0x2000  }
0xe4: {  	[sflag:s3] =	ssyncset.done $0x0  }
0xe5: {  	s24 =	simm.s32 $0x2600;
	s25 =	rddreg [dreg:$0x15];
	[sflag:s3] =	ssyncadd.s32 $0xFFFFE000  }
0xe6: {  	[tilespmem:s6], [sflag:$0x2] =	stream.indirect.gather [hbm4b:s25+s4], $0x10, s24, s4, $0xb8;
	[tilespmem:$0x7400] =	vst v63  }
0xe7: {  	_ =	swait.ge [sflag:s7], $0x2000  }
0xe8: {  	s26 =	sld [smem:$0x7F6]  }
0xe9: {  	[sflag:s7] =	ssyncset.done $0x0  }
0xea: {  	[sflag:s7] =	ssyncadd.s32 $0xFFFFE000  }
0xeb: {  	[hbm4b:s26+s8] =	stream.strided.scatter [tilespmem:s5], [sflag:$0x3], $0x2000, s9, s8, $0x38;
	[tilespmem:$0x7400] =	vst v63  }
0xec: {  	_ =	swait.ge [sflag:s3], $0x2000  }
0xed: {  	[sflag:s3] =	ssyncset.done $0x0  }
0xee: {  	s25 =	simm.s32 $0x2800;
	s11 =	rddreg [dreg:$0x16];
	[sflag:s3] =	ssyncadd.s32 $0xFFFFE000  }
0xef: {  	[tilespmem:s5], [sflag:$0x1] =	stream.indirect.gather [hbm4b:s11+s4], $0x10, s25, s4, $0xb8;
	[tilespmem:$0x7400] =	vst v63  }
0xf0: {  	_ =	swait.ge [sflag:s10], $0x2000  }
0xf1: {  	s26 =	sld [smem:$0x7F7]  }
0xf2: {  	[sflag:s10] =	ssyncset.done $0x0  }
0xf3: {  	[sflag:s10] =	ssyncadd.s32 $0xFFFFE000  }
0xf4: {  	[hbm4b:s26+s8] =	stream.strided.scatter [tilespmem:s6], [sflag:$0x3], $0x2000, s9, s8, $0x38;
	[tilespmem:$0x7400] =	vst v63  }
0xf5: {  	_ =	swait.ge [sflag:s3], $0x2000  }
0xf6: {  	[sflag:s3] =	ssyncset.done $0x0  }
0xf7: {  	s26 =	simm.s32 $0x2A00;
	s11 =	rddreg [dreg:$0x17];
	[sflag:s3] =	ssyncadd.s32 $0xFFFFE000  }
0xf8: {  	[tilespmem:s6], [sflag:$0x2] =	stream.indirect.gather [hbm4b:s11+s4], $0x10, s26, s4, $0xb8;
	[tilespmem:$0x7400] =	vst v63  }
0xf9: {  	_ =	swait.ge [sflag:s7], $0x2000  }
0xfa: {  	s11 =	sld [smem:$0x7F8]  }
0xfb: {  	[sflag:s7] =	ssyncset.done $0x0  }
0xfc: {  	[sflag:s7] =	ssyncadd.s32 $0xFFFFE000  }
0xfd: {  	[hbm4b:s11+s8] =	stream.strided.scatter [tilespmem:s5], [sflag:$0x3], $0x2000, s9, s8, $0x38;
	[tilespmem:$0x7400] =	vst v63  }
0xfe: {  	_ =	swait.ge [sflag:s3], $0x2000  }
0xff: {  	[sflag:s3] =	ssyncset.done $0x0  }
0x100: {  	s28 =	simm.s32 $0x2C00;
	s11 =	rddreg [dreg:$0x18];
	[sflag:s3] =	ssyncadd.s32 $0xFFFFE000  }
0x101: {  	[tilespmem:s5], [sflag:$0x1] =	stream.indirect.gather [hbm4b:s11+s4], $0x10, s28, s4, $0xb8;
	[tilespmem:$0x7400] =	vst v63  }
0x102: {  	_ =	swait.ge [sflag:s10], $0x2000  }
0x103: {  	s11 =	sld [smem:$0x7F9]  }
0x104: {  	[sflag:s10] =	ssyncset.done $0x0  }
0x105: {  	[sflag:s10] =	ssyncadd.s32 $0xFFFFE000  }
0x106: {  	[hbm4b:s11+s8] =	stream.strided.scatter [tilespmem:s6], [sflag:$0x3], $0x2000, s9, s8, $0x38;
	[tilespmem:$0x7400] =	vst v63  }
0x107: {  	_ =	swait.ge [sflag:s3], $0x2000  }
0x108: {  	[sflag:s3] =	ssyncset.done $0x0  }
0x109: {  	s29 =	simm.s32 $0x2E00;
	s11 =	rddreg [dreg:$0x19];
	[sflag:s3] =	ssyncadd.s32 $0xFFFFE000  }
0x10a: {  	[tilespmem:s6], [sflag:$0x2] =	stream.indirect.gather [hbm4b:s11+s4], $0x10, s29, s4, $0xb8;
	[tilespmem:$0x7400] =	vst v63  }
0x10b: {  	_ =	swait.ge [sflag:s7], $0x2000  }
0x10c: {  	s11 =	sld [smem:$0x7FA]  }
0x10d: {  	[sflag:s7] =	ssyncset.done $0x0  }
0x10e: {  	[sflag:s7] =	ssyncadd.s32 $0xFFFFE000  }
0x10f: {  	[hbm4b:s11+s8] =	stream.strided.scatter [tilespmem:s5], [sflag:$0x3], $0x2000, s9, s8, $0x38;
	[tilespmem:$0x7400] =	vst v63  }
0x110: {  	_ =	swait.ge [sflag:s3], $0x2000  }
0x111: {  	[sflag:s3] =	ssyncset.done $0x0  }
0x112: {  	s30 =	simm.s32 $0x3000;
	s11 =	rddreg [dreg:$0x1a];
	[sflag:s3] =	ssyncadd.s32 $0xFFFFE000  }
0x113: {  	[tilespmem:s5], [sflag:$0x1] =	stream.indirect.gather [hbm4b:s11+s4], $0x10, s30, s4, $0xb8;
	[tilespmem:$0x7400] =	vst v63  }
0x114: {  	_ =	swait.ge [sflag:s10], $0x2000  }
0x115: {  	s11 =	sld [smem:$0x7FB]  }
0x116: {  	[sflag:s10] =	ssyncset.done $0x0  }
0x117: {  	[sflag:s10] =	ssyncadd.s32 $0xFFFFE000  }
0x118: {  	[hbm4b:s11+s8] =	stream.strided.scatter [tilespmem:s6], [sflag:$0x3], $0x2000, s9, s8, $0x38;
	[tilespmem:$0x7400] =	vst v63  }
0x119: {  	_ =	swait.ge [sflag:s3], $0x2000  }
0x11a: {  	[sflag:s3] =	ssyncset.done $0x0  }
0x11b: {  	s31 =	simm.s32 $0x3200;
	s11 =	rddreg [dreg:$0x1b];
	[sflag:s3] =	ssyncadd.s32 $0xFFFFE000  }
0x11c: {  	[tilespmem:s6], [sflag:$0x2] =	stream.indirect.gather [hbm4b:s11+s4], $0x10, s31, s4, $0xb8;
	[tilespmem:$0x7400] =	vst v63  }
0x11d: {  	_ =	swait.ge [sflag:s7], $0x2000  }
0x11e: {  	s11 =	sld [smem:$0x7FC]  }
0x11f: {  	[sflag:s7] =	ssyncset.done $0x0  }
0x120: {  	s0 =	ssub.s32 $0x2, s0;
	[sflag:s7] =	ssyncadd.s32 $0xFFFFE000  }
0x121: {  	[hbm4b:s11+s8] =	stream.strided.scatter [tilespmem:s5], [sflag:$0x3], $0x2000, s9, s8, $0x38;
	[tilespmem:$0x7400] =	vst v63  }
0x122: {  	s11 =	sshrl.u32 s0, $0x1  }
0x123: {  	s0 =	ssub.s32 s0, s11  }
0x124: {  	s0 =	smax.u32 s0, $0x1  }
0x125: {  	_ =	swait.ge [sflag:s3], $0x2000;
	p0 =	sne.s32 s0, $0x1  }
.Ltmp0:
0x126: {  	[sflag:s3] =	ssyncset.done $0x0;
	(pc) =	sbr.rel @!p0 .LBB2_2-.Ltmp0, $4  }
0x127: {  	[sflag:s3] =	ssyncadd.s32 $0xFFFFE000  }
0x128: {  	_ =	swait.ge [sflag:s10], $0x2000  }
0x129: {  	[sflag:s10] =	ssyncset.done $0x0  }
0x12a: {  	s0 =	sadd.s32 $0xFFFFFFFF, s0;
	s2 =	sld [smem:$0x7FD];
	[sflag:s10] =	ssyncadd.s32 $0xFFFFE000  }
.LBB2_1:
0x12b: {  	_ =	sdelay $0x1  }
0x12c: {  	[hbm4b:s2+s8] =	stream.strided.scatter [tilespmem:s6], [sflag:$0x3], $0x2000, s9, s8, $0x38;
	[tilespmem:$0x7400] =	vst v63  }
0x12d: {  	_ =	swait.ge [sflag:s3], $0x2000  }
0x12e: {  	[sflag:s3] =	ssyncset.done $0x0  }
0x12f: {  	s11 =	rddreg [dreg:$0x1c];
	[sflag:s3] =	ssyncadd.s32 $0xFFFFE000  }
0x130: {  	[tilespmem:s1], [sflag:$0x3] =	stream.linear.gather [hbm4b:s11+s1], $0x3400, $0x38;
	[tilespmem:$0x7400] =	vst v63  }
0x131: {  	_ =	swait.ge [sflag:s3], $0x3400  }
0x132: {  	[sflag:s3] =	ssyncset.done $0x0  }
0x133: {  	s2 =	rddreg [dreg:$0x2];
	[sflag:s3] =	ssyncadd.s32 $0xFFFFCC00  }
0x134: {  	[tilespmem:s5], [sflag:$0x1] =	stream.indirect.gather [hbm4b:s2+s4], $0x10, s1, s4, $0xb8;
	[tilespmem:$0x7400] =	vst v63  }
0x135: {  	s11 =	rddreg [dreg:$0x3]  }
0x136: {  	[tilespmem:s6], [sflag:$0x2] =	stream.indirect.gather [hbm4b:s11+s4], $0x10, s4, s4, $0xb8;
	[tilespmem:$0x7400] =	vst v63  }
0x137: {  	_ =	swait.ge [sflag:s7], $0x2000  }
0x138: {  	[sflag:s7] =	ssyncset.done $0x0  }
0x139: {  	s11 =	rddreg [dreg:$0x1d];
	[sflag:s7] =	ssyncadd.s32 $0xFFFFE000  }
0x13a: {  	[hbm4b:s11+s8] =	stream.strided.scatter [tilespmem:s5], [sflag:$0x3], $0x2000, s9, s8, $0x38;
	[tilespmem:$0x7400] =	vst v63  }
0x13b: {  	_ =	swait.ge [sflag:s3], $0x2000  }
0x13c: {  	s11 =	sld [smem:$0x7E3]  }
0x13d: {  	[sflag:s3] =	ssyncset.done $0x0  }
0x13e: {  	s2 =	rddreg [dreg:$0x4];
	[sflag:s3] =	ssyncadd.s32 $0xFFFFE000  }
0x13f: {  	[tilespmem:s5], [sflag:$0x1] =	stream.indirect.gather [hbm4b:s2+s4], $0x10, s11, s4, $0xb8;
	[tilespmem:$0x7400] =	vst v63  }
0x140: {  	_ =	swait.ge [sflag:s10], $0x2000  }
0x141: {  	[sflag:s10] =	ssyncset.done $0x0  }
0x142: {  	s11 =	rddreg [dreg:$0x1e];
	[sflag:s10] =	ssyncadd.s32 $0xFFFFE000  }
0x143: {  	[hbm4b:s11+s8] =	stream.strided.scatter [tilespmem:s6], [sflag:$0x3], $0x2000, s9, s8, $0x38;
	[tilespmem:$0x7400] =	vst v63  }
0x144: {  	_ =	swait.ge [sflag:s3], $0x2000  }
0x145: {  	s11 =	sld [smem:$0x7E4]  }
0x146: {  	[sflag:s3] =	ssyncset.done $0x0  }
0x147: {  	s2 =	rddreg [dreg:$0x5];
	[sflag:s3] =	ssyncadd.s32 $0xFFFFE000  }
0x148: {  	[tilespmem:s6], [sflag:$0x2] =	stream.indirect.gather [hbm4b:s2+s4], $0x10, s11, s4, $0xb8;
	[tilespmem:$0x7400] =	vst v63  }
0x149: {  	_ =	swait.ge [sflag:s7], $0x2000  }
0x14a: {  	[sflag:s7] =	ssyncset.done $0x0  }
0x14b: {  	s11 =	rddreg [dreg:$0x1f];
	[sflag:s7] =	ssyncadd.s32 $0xFFFFE000  }
0x14c: {  	[hbm4b:s11+s8] =	stream.strided.scatter [tilespmem:s5], [sflag:$0x3], $0x2000, s9, s8, $0x38;
	[tilespmem:$0x7400] =	vst v63  }
0x14d: {  	_ =	swait.ge [sflag:s3], $0x2000  }
0x14e: {  	s11 =	sld [smem:$0x7E5]  }
0x14f: {  	[sflag:s3] =	ssyncset.done $0x0  }
0x150: {  	s2 =	rddreg [dreg:$0x6];
	[sflag:s3] =	ssyncadd.s32 $0xFFFFE000  }
0x151: {  	[tilespmem:s5], [sflag:$0x1] =	stream.indirect.gather [hbm4b:s2+s4], $0x10, s11, s4, $0xb8;
	[tilespmem:$0x7400] =	vst v63  }
0x152: {  	_ =	swait.ge [sflag:s10], $0x2000  }
0x153: {  	s11 =	sld [smem:$0x7E6]  }
0x154: {  	[sflag:s10] =	ssyncset.done $0x0  }
0x155: {  	[sflag:s10] =	ssyncadd.s32 $0xFFFFE000  }
0x156: {  	[hbm4b:s11+s8] =	stream.strided.scatter [tilespmem:s6], [sflag:$0x3], $0x2000, s9, s8, $0x38;
	[tilespmem:$0x7400] =	vst v63  }
0x157: {  	_ =	swait.ge [sflag:s3], $0x2000  }
0x158: {  	s11 =	sld [smem:$0x7E7]  }
0x159: {  	[sflag:s3] =	ssyncset.done $0x0  }
0x15a: {  	s2 =	rddreg [dreg:$0x7];
	[sflag:s3] =	ssyncadd.s32 $0xFFFFE000  }
0x15b: {  	[tilespmem:s6], [sflag:$0x2] =	stream.indirect.gather [hbm4b:s2+s4], $0x10, s11, s4, $0xb8;
	[tilespmem:$0x7400] =	vst v63  }
0x15c: {  	_ =	swait.ge [sflag:s7], $0x2000  }
0x15d: {  	s11 =	sld [smem:$0x7E8]  }
0x15e: {  	[sflag:s7] =	ssyncset.done $0x0  }
0x15f: {  	[sflag:s7] =	ssyncadd.s32 $0xFFFFE000  }
0x160: {  	[hbm4b:s11+s8] =	stream.strided.scatter [tilespmem:s5], [sflag:$0x3], $0x2000, s9, s8, $0x38;
	[tilespmem:$0x7400] =	vst v63  }
0x161: {  	_ =	swait.ge [sflag:s3], $0x2000  }
0x162: {  	[sflag:s3] =	ssyncset.done $0x0  }
0x163: {  	s11 =	simm.s32 $0xC00;
	s2 =	rddreg [dreg:$0x8];
	[sflag:s3] =	ssyncadd.s32 $0xFFFFE000  }
0x164: {  	[tilespmem:s5], [sflag:$0x1] =	stream.indirect.gather [hbm4b:s2+s4], $0x10, s11, s4, $0xb8;
	[tilespmem:$0x7400] =	vst v63  }
0x165: {  	_ =	swait.ge [sflag:s10], $0x2000  }
0x166: {  	s11 =	sld [smem:$0x7E9]  }
0x167: {  	[sflag:s10] =	ssyncset.done $0x0  }
0x168: {  	[sflag:s10] =	ssyncadd.s32 $0xFFFFE000  }
0x169: {  	[hbm4b:s11+s8] =	stream.strided.scatter [tilespmem:s6], [sflag:$0x3], $0x2000, s9, s8, $0x38;
	[tilespmem:$0x7400] =	vst v63  }
0x16a: {  	_ =	swait.ge [sflag:s3], $0x2000  }
0x16b: {  	[sflag:s3] =	ssyncset.done $0x0  }
0x16c: {  	s11 =	rddreg [dreg:$0x9];
	[sflag:s3] =	ssyncadd.s32 $0xFFFFE000  }
0x16d: {  	[tilespmem:s6], [sflag:$0x2] =	stream.indirect.gather [hbm4b:s11+s4], $0x10, s12, s4, $0xb8;
	[tilespmem:$0x7400] =	vst v63  }
0x16e: {  	_ =	swait.ge [sflag:s7], $0x2000  }
0x16f: {  	s11 =	sld [smem:$0x7EA]  }
0x170: {  	[sflag:s7] =	ssyncset.done $0x0  }
0x171: {  	[sflag:s7] =	ssyncadd.s32 $0xFFFFE000  }
0x172: {  	[hbm4b:s11+s8] =	stream.strided.scatter [tilespmem:s5], [sflag:$0x3], $0x2000, s9, s8, $0x38;
	[tilespmem:$0x7400] =	vst v63  }
0x173: {  	_ =	swait.ge [sflag:s3], $0x2000  }
0x174: {  	[sflag:s3] =	ssyncset.done $0x0  }
0x175: {  	s11 =	rddreg [dreg:$0xa];
	[sflag:s3] =	ssyncadd.s32 $0xFFFFE000  }
0x176: {  	[tilespmem:s5], [sflag:$0x1] =	stream.indirect.gather [hbm4b:s11+s4], $0x10, s13, s4, $0xb8;
	[tilespmem:$0x7400] =	vst v63  }
0x177: {  	_ =	swait.ge [sflag:s10], $0x2000  }
0x178: {  	s11 =	sld [smem:$0x7EB]  }
0x179: {  	[sflag:s10] =	ssyncset.done $0x0  }
0x17a: {  	[sflag:s10] =	ssyncadd.s32 $0xFFFFE000  }
0x17b: {  	[hbm4b:s11+s8] =	stream.strided.scatter [tilespmem:s6], [sflag:$0x3], $0x2000, s9, s8, $0x38;
	[tilespmem:$0x7400] =	vst v63  }
0x17c: {  	_ =	swait.ge [sflag:s3], $0x2000  }
0x17d: {  	[sflag:s3] =	ssyncset.done $0x0  }
0x17e: {  	s11 =	rddreg [dreg:$0xb];
	[sflag:s3] =	ssyncadd.s32 $0xFFFFE000  }
0x17f: {  	[tilespmem:s6], [sflag:$0x2] =	stream.indirect.gather [hbm4b:s11+s4], $0x10, s14, s4, $0xb8;
	[tilespmem:$0x7400] =	vst v63  }
0x180: {  	_ =	swait.ge [sflag:s7], $0x2000  }
0x181: {  	s11 =	sld [smem:$0x7EC]  }
0x182: {  	[sflag:s7] =	ssyncset.done $0x0  }
0x183: {  	[sflag:s7] =	ssyncadd.s32 $0xFFFFE000  }
0x184: {  	[hbm4b:s11+s8] =	stream.strided.scatter [tilespmem:s5], [sflag:$0x3], $0x2000, s9, s8, $0x38;
	[tilespmem:$0x7400] =	vst v63  }
0x185: {  	_ =	swait.ge [sflag:s3], $0x2000  }
0x186: {  	[sflag:s3] =	ssyncset.done $0x0  }
0x187: {  	s11 =	rddreg [dreg:$0xc];
	[sflag:s3] =	ssyncadd.s32 $0xFFFFE000  }
0x188: {  	[tilespmem:s5], [sflag:$0x1] =	stream.indirect.gather [hbm4b:s11+s4], $0x10, s15, s4, $0xb8;
	[tilespmem:$0x7400] =	vst v63  }
0x189: {  	_ =	swait.ge [sflag:s10], $0x2000  }
0x18a: {  	s11 =	sld [smem:$0x7ED]  }
0x18b: {  	[sflag:s10] =	ssyncset.done $0x0  }
0x18c: {  	[sflag:s10] =	ssyncadd.s32 $0xFFFFE000  }
0x18d: {  	[hbm4b:s11+s8] =	stream.strided.scatter [tilespmem:s6], [sflag:$0x3], $0x2000, s9, s8, $0x38;
	[tilespmem:$0x7400] =	vst v63  }
0x18e: {  	_ =	swait.ge [sflag:s3], $0x2000  }
0x18f: {  	[sflag:s3] =	ssyncset.done $0x0  }
0x190: {  	s11 =	rddreg [dreg:$0xd];
	[sflag:s3] =	ssyncadd.s32 $0xFFFFE000  }
0x191: {  	[tilespmem:s6], [sflag:$0x2] =	stream.indirect.gather [hbm4b:s11+s4], $0x10, s16, s4, $0xb8;
	[tilespmem:$0x7400] =	vst v63  }
0x192: {  	_ =	swait.ge [sflag:s7], $0x2000  }
0x193: {  	s11 =	sld [smem:$0x7EE]  }
0x194: {  	[sflag:s7] =	ssyncset.done $0x0  }
0x195: {  	[sflag:s7] =	ssyncadd.s32 $0xFFFFE000  }
0x196: {  	[hbm4b:s11+s8] =	stream.strided.scatter [tilespmem:s5], [sflag:$0x3], $0x2000, s9, s8, $0x38;
	[tilespmem:$0x7400] =	vst v63  }
0x197: {  	_ =	swait.ge [sflag:s3], $0x2000  }
0x198: {  	[sflag:s3] =	ssyncset.done $0x0  }
0x199: {  	s11 =	rddreg [dreg:$0xe];
	[sflag:s3] =	ssyncadd.s32 $0xFFFFE000  }
0x19a: {  	[tilespmem:s5], [sflag:$0x1] =	stream.indirect.gather [hbm4b:s11+s4], $0x10, s17, s4, $0xb8;
	[tilespmem:$0x7400] =	vst v63  }
0x19b: {  	_ =	swait.ge [sflag:s10], $0x2000  }
0x19c: {  	s11 =	sld [smem:$0x7EF]  }
0x19d: {  	[sflag:s10] =	ssyncset.done $0x0  }
0x19e: {  	[sflag:s10] =	ssyncadd.s32 $0xFFFFE000  }
0x19f: {  	[hbm4b:s11+s8] =	stream.strided.scatter [tilespmem:s6], [sflag:$0x3], $0x2000, s9, s8, $0x38;
	[tilespmem:$0x7400] =	vst v63  }
0x1a0: {  	_ =	swait.ge [sflag:s3], $0x2000  }
0x1a1: {  	[sflag:s3] =	ssyncset.done $0x0  }
0x1a2: {  	s11 =	rddreg [dreg:$0xf];
	[sflag:s3] =	ssyncadd.s32 $0xFFFFE000  }
0x1a3: {  	[tilespmem:s6], [sflag:$0x2] =	stream.indirect.gather [hbm4b:s11+s4], $0x10, s18, s4, $0xb8;
	[tilespmem:$0x7400] =	vst v63  }
0x1a4: {  	_ =	swait.ge [sflag:s7], $0x2000  }
0x1a5: {  	s11 =	sld [smem:$0x7F0]  }
0x1a6: {  	[sflag:s7] =	ssyncset.done $0x0  }
0x1a7: {  	[sflag:s7] =	ssyncadd.s32 $0xFFFFE000  }
0x1a8: {  	[hbm4b:s11+s8] =	stream.strided.scatter [tilespmem:s5], [sflag:$0x3], $0x2000, s9, s8, $0x38;
	[tilespmem:$0x7400] =	vst v63  }
0x1a9: {  	_ =	swait.ge [sflag:s3], $0x2000  }
0x1aa: {  	[sflag:s3] =	ssyncset.done $0x0  }
0x1ab: {  	s11 =	rddreg [dreg:$0x10];
	[sflag:s3] =	ssyncadd.s32 $0xFFFFE000  }
0x1ac: {  	[tilespmem:s5], [sflag:$0x1] =	stream.indirect.gather [hbm4b:s11+s4], $0x10, s19, s4, $0xb8;
	[tilespmem:$0x7400] =	vst v63  }
0x1ad: {  	_ =	swait.ge [sflag:s10], $0x2000  }
0x1ae: {  	s11 =	sld [smem:$0x7F1]  }
0x1af: {  	[sflag:s10] =	ssyncset.done $0x0  }
0x1b0: {  	[sflag:s10] =	ssyncadd.s32 $0xFFFFE000  }
0x1b1: {  	[hbm4b:s11+s8] =	stream.strided.scatter [tilespmem:s6], [sflag:$0x3], $0x2000, s9, s8, $0x38;
	[tilespmem:$0x7400] =	vst v63  }
0x1b2: {  	_ =	swait.ge [sflag:s3], $0x2000  }
0x1b3: {  	[sflag:s3] =	ssyncset.done $0x0  }
0x1b4: {  	s11 =	rddreg [dreg:$0x11];
	[sflag:s3] =	ssyncadd.s32 $0xFFFFE000  }
0x1b5: {  	[tilespmem:s6], [sflag:$0x2] =	stream.indirect.gather [hbm4b:s11+s4], $0x10, s20, s4, $0xb8;
	[tilespmem:$0x7400] =	vst v63  }
0x1b6: {  	_ =	swait.ge [sflag:s7], $0x2000  }
0x1b7: {  	s11 =	sld [smem:$0x7F2]  }
0x1b8: {  	[sflag:s7] =	ssyncset.done $0x0  }
0x1b9: {  	[sflag:s7] =	ssyncadd.s32 $0xFFFFE000  }
0x1ba: {  	[hbm4b:s11+s8] =	stream.strided.scatter [tilespmem:s5], [sflag:$0x3], $0x2000, s9, s8, $0x38;
	[tilespmem:$0x7400] =	vst v63  }
0x1bb: {  	_ =	swait.ge [sflag:s3], $0x2000  }
0x1bc: {  	[sflag:s3] =	ssyncset.done $0x0  }
0x1bd: {  	s11 =	rddreg [dreg:$0x12];
	[sflag:s3] =	ssyncadd.s32 $0xFFFFE000  }
0x1be: {  	[tilespmem:s5], [sflag:$0x1] =	stream.indirect.gather [hbm4b:s11+s4], $0x10, s21, s4, $0xb8;
	[tilespmem:$0x7400] =	vst v63  }
0x1bf: {  	_ =	swait.ge [sflag:s10], $0x2000  }
0x1c0: {  	s11 =	sld [smem:$0x7F3]  }
0x1c1: {  	[sflag:s10] =	ssyncset.done $0x0  }
0x1c2: {  	[sflag:s10] =	ssyncadd.s32 $0xFFFFE000  }
0x1c3: {  	[hbm4b:s11+s8] =	stream.strided.scatter [tilespmem:s6], [sflag:$0x3], $0x2000, s9, s8, $0x38;
	[tilespmem:$0x7400] =	vst v63  }
0x1c4: {  	_ =	swait.ge [sflag:s3], $0x2000  }
0x1c5: {  	[sflag:s3] =	ssyncset.done $0x0  }
0x1c6: {  	s11 =	rddreg [dreg:$0x13];
	[sflag:s3] =	ssyncadd.s32 $0xFFFFE000  }
0x1c7: {  	[tilespmem:s6], [sflag:$0x2] =	stream.indirect.gather [hbm4b:s11+s4], $0x10, s22, s4, $0xb8;
	[tilespmem:$0x7400] =	vst v63  }
0x1c8: {  	_ =	swait.ge [sflag:s7], $0x2000  }
0x1c9: {  	s11 =	sld [smem:$0x7F4]  }
0x1ca: {  	[sflag:s7] =	ssyncset.done $0x0  }
0x1cb: {  	[sflag:s7] =	ssyncadd.s32 $0xFFFFE000  }
0x1cc: {  	[hbm4b:s11+s8] =	stream.strided.scatter [tilespmem:s5], [sflag:$0x3], $0x2000, s9, s8, $0x38;
	[tilespmem:$0x7400] =	vst v63  }
0x1cd: {  	_ =	swait.ge [sflag:s3], $0x2000  }
0x1ce: {  	[sflag:s3] =	ssyncset.done $0x0  }
0x1cf: {  	s11 =	rddreg [dreg:$0x14];
	[sflag:s3] =	ssyncadd.s32 $0xFFFFE000  }
0x1d0: {  	[tilespmem:s5], [sflag:$0x1] =	stream.indirect.gather [hbm4b:s11+s4], $0x10, s23, s4, $0xb8;
	[tilespmem:$0x7400] =	vst v63  }
0x1d1: {  	_ =	swait.ge [sflag:s10], $0x2000  }
0x1d2: {  	s11 =	sld [smem:$0x7F5]  }
0x1d3: {  	[sflag:s10] =	ssyncset.done $0x0  }
0x1d4: {  	[sflag:s10] =	ssyncadd.s32 $0xFFFFE000  }
0x1d5: {  	[hbm4b:s11+s8] =	stream.strided.scatter [tilespmem:s6], [sflag:$0x3], $0x2000, s9, s8, $0x38;
	[tilespmem:$0x7400] =	vst v63  }
0x1d6: {  	_ =	swait.ge [sflag:s3], $0x2000  }
0x1d7: {  	[sflag:s3] =	ssyncset.done $0x0  }
0x1d8: {  	s11 =	rddreg [dreg:$0x15];
	[sflag:s3] =	ssyncadd.s32 $0xFFFFE000  }
0x1d9: {  	[tilespmem:s6], [sflag:$0x2] =	stream.indirect.gather [hbm4b:s11+s4], $0x10, s24, s4, $0xb8;
	[tilespmem:$0x7400] =	vst v63  }
0x1da: {  	_ =	swait.ge [sflag:s7], $0x2000  }
0x1db: {  	s11 =	sld [smem:$0x7F6]  }
0x1dc: {  	[sflag:s7] =	ssyncset.done $0x0  }
0x1dd: {  	[sflag:s7] =	ssyncadd.s32 $0xFFFFE000  }
0x1de: {  	[hbm4b:s11+s8] =	stream.strided.scatter [tilespmem:s5], [sflag:$0x3], $0x2000, s9, s8, $0x38;
	[tilespmem:$0x7400] =	vst v63  }
0x1df: {  	_ =	swait.ge [sflag:s3], $0x2000  }
0x1e0: {  	[sflag:s3] =	ssyncset.done $0x0  }
0x1e1: {  	s11 =	rddreg [dreg:$0x16];
	[sflag:s3] =	ssyncadd.s32 $0xFFFFE000  }
0x1e2: {  	[tilespmem:s5], [sflag:$0x1] =	stream.indirect.gather [hbm4b:s11+s4], $0x10, s25, s4, $0xb8;
	[tilespmem:$0x7400] =	vst v63  }
0x1e3: {  	_ =	swait.ge [sflag:s10], $0x2000  }
0x1e4: {  	s11 =	sld [smem:$0x7F7]  }
0x1e5: {  	[sflag:s10] =	ssyncset.done $0x0  }
0x1e6: {  	[sflag:s10] =	ssyncadd.s32 $0xFFFFE000  }
0x1e7: {  	[hbm4b:s11+s8] =	stream.strided.scatter [tilespmem:s6], [sflag:$0x3], $0x2000, s9, s8, $0x38;
	[tilespmem:$0x7400] =	vst v63  }
0x1e8: {  	_ =	swait.ge [sflag:s3], $0x2000  }
0x1e9: {  	[sflag:s3] =	ssyncset.done $0x0  }
0x1ea: {  	s11 =	rddreg [dreg:$0x17];
	[sflag:s3] =	ssyncadd.s32 $0xFFFFE000  }
0x1eb: {  	[tilespmem:s6], [sflag:$0x2] =	stream.indirect.gather [hbm4b:s11+s4], $0x10, s26, s4, $0xb8;
	[tilespmem:$0x7400] =	vst v63  }
0x1ec: {  	_ =	swait.ge [sflag:s7], $0x2000  }
0x1ed: {  	s11 =	sld [smem:$0x7F8]  }
0x1ee: {  	[sflag:s7] =	ssyncset.done $0x0  }
0x1ef: {  	[sflag:s7] =	ssyncadd.s32 $0xFFFFE000  }
0x1f0: {  	[hbm4b:s11+s8] =	stream.strided.scatter [tilespmem:s5], [sflag:$0x3], $0x2000, s9, s8, $0x38;
	[tilespmem:$0x7400] =	vst v63  }
0x1f1: {  	_ =	swait.ge [sflag:s3], $0x2000  }
0x1f2: {  	[sflag:s3] =	ssyncset.done $0x0  }
0x1f3: {  	s11 =	rddreg [dreg:$0x18];
	[sflag:s3] =	ssyncadd.s32 $0xFFFFE000  }
0x1f4: {  	[tilespmem:s5], [sflag:$0x1] =	stream.indirect.gather [hbm4b:s11+s4], $0x10, s28, s4, $0xb8;
	[tilespmem:$0x7400] =	vst v63  }
0x1f5: {  	_ =	swait.ge [sflag:s10], $0x2000  }
0x1f6: {  	s11 =	sld [smem:$0x7F9]  }
0x1f7: {  	[sflag:s10] =	ssyncset.done $0x0  }
0x1f8: {  	[sflag:s10] =	ssyncadd.s32 $0xFFFFE000  }
0x1f9: {  	[hbm4b:s11+s8] =	stream.strided.scatter [tilespmem:s6], [sflag:$0x3], $0x2000, s9, s8, $0x38;
	[tilespmem:$0x7400] =	vst v63  }
0x1fa: {  	_ =	swait.ge [sflag:s3], $0x2000  }
0x1fb: {  	[sflag:s3] =	ssyncset.done $0x0  }
0x1fc: {  	s11 =	rddreg [dreg:$0x19];
	[sflag:s3] =	ssyncadd.s32 $0xFFFFE000  }
0x1fd: {  	[tilespmem:s6], [sflag:$0x2] =	stream.indirect.gather [hbm4b:s11+s4], $0x10, s29, s4, $0xb8;
	[tilespmem:$0x7400] =	vst v63  }
0x1fe: {  	_ =	swait.ge [sflag:s7], $0x2000  }
0x1ff: {  	s11 =	sld [smem:$0x7FA]  }
0x200: {  	[sflag:s7] =	ssyncset.done $0x0  }
0x201: {  	[sflag:s7] =	ssyncadd.s32 $0xFFFFE000  }
0x202: {  	[hbm4b:s11+s8] =	stream.strided.scatter [tilespmem:s5], [sflag:$0x3], $0x2000, s9, s8, $0x38;
	[tilespmem:$0x7400] =	vst v63  }
0x203: {  	_ =	swait.ge [sflag:s3], $0x2000  }
0x204: {  	[sflag:s3] =	ssyncset.done $0x0  }
0x205: {  	s11 =	rddreg [dreg:$0x1a];
	[sflag:s3] =	ssyncadd.s32 $0xFFFFE000  }
0x206: {  	[tilespmem:s5], [sflag:$0x1] =	stream.indirect.gather [hbm4b:s11+s4], $0x10, s30, s4, $0xb8;
	[tilespmem:$0x7400] =	vst v63  }
0x207: {  	_ =	swait.ge [sflag:s10], $0x2000  }
0x208: {  	s11 =	sld [smem:$0x7FB]  }
0x209: {  	[sflag:s10] =	ssyncset.done $0x0  }
0x20a: {  	[sflag:s10] =	ssyncadd.s32 $0xFFFFE000  }
0x20b: {  	[hbm4b:s11+s8] =	stream.strided.scatter [tilespmem:s6], [sflag:$0x3], $0x2000, s9, s8, $0x38;
	[tilespmem:$0x7400] =	vst v63  }
0x20c: {  	_ =	swait.ge [sflag:s3], $0x2000  }
0x20d: {  	[sflag:s3] =	ssyncset.done $0x0  }
0x20e: {  	s11 =	rddreg [dreg:$0x1b];
	[sflag:s3] =	ssyncadd.s32 $0xFFFFE000  }
0x20f: {  	[tilespmem:s6], [sflag:$0x2] =	stream.indirect.gather [hbm4b:s11+s4], $0x10, s31, s4, $0xb8;
	[tilespmem:$0x7400] =	vst v63  }
0x210: {  	_ =	swait.ge [sflag:s7], $0x2000  }
0x211: {  	s11 =	sld [smem:$0x7FC]  }
0x212: {  	[sflag:s7] =	ssyncset.done $0x0  }
0x213: {  	[sflag:s7] =	ssyncadd.s32 $0xFFFFE000  }
0x214: {  	[hbm4b:s11+s8] =	stream.strided.scatter [tilespmem:s5], [sflag:$0x3], $0x2000, s9, s8, $0x38;
	[tilespmem:$0x7400] =	vst v63  }
0x215: {  	p0 =	sne.s32 s0, $0x1;
	_ =	swait.ge [sflag:s3], $0x2000  }
.Ltmp1:
0x216: {  	[sflag:s3] =	ssyncset.done $0x0;
	(pc) =	sbr.rel @p0 .LBB2_1-.Ltmp1, $4  }
0x217: {  	[sflag:s3] =	ssyncadd.s32 $0xFFFFE000  }
0x218: {  	_ =	swait.ge [sflag:s10], $0x2000  }
0x219: {  	[sflag:s10] =	ssyncset.done $0x0  }
0x21a: {  	s0 =	sadd.s32 $0xFFFFFFFF, s0;
	s2 =	sld [smem:$0x7FD];
	[sflag:s10] =	ssyncadd.s32 $0xFFFFE000  }
.LBB2_2:
0x21b: {  	_ =	sdelay $0x1  }
0x21c: {  	[hbm4b:s2+s8] =	stream.strided.scatter [tilespmem:s6], [sflag:$0x3], $0x2000, s9, s8, $0x38;
	[tilespmem:$0x7400] =	vst v63  }
0x21d: {  	_ =	swait.ge [sflag:s3], $0x2000  }
0x21e: {  	[sflag:s3] =	ssyncset.done $0x0  }
0x21f: {  	[sflag:s3] =	ssyncadd.s32 $0xFFFFE000  }
0x220: {  	_ =	sfence.sel $0x180000  }
0x221: {  	[bflag:$0x0] =	sbarrier.arrive $0xFFFF  }
0x222: {  	_ =	strace $0x90000047  }
0x223: {  	s0 =	stileid.u32;
	[bflag:$0x2] =	sbarrier.arrive $0xFFFF  }
0x224: {  	p0 =	sne.s32 s0, $0x0;
	s0 =	rddreg [dreg:$0x1]  }
0x225: {  	s0 =	sadd.s32 @!p0 $0x100000, s0  }
0x226: {  	[sflag:s0] =	ssyncadd.tile.s32 @!p0 $0x1;
	_ =	shalt  }
.Lfunc_end2:
_tile_overlayer_lowered:
.L_overlay_start_2:
0x227: {  	(tag) =	ssettag $0x2  }
0x228: {  	s0 =	rddreg [dreg:$0x0];
	s2 =	stileid.u32  }
0x229: {  	s1 =	rddreg [dreg:$0x1];
	p0 =	sne.s32 s2, $0x0  }
0x22a: {  	s3 =	rddreg [dreg:$0x2];
	[bflag:$0x3] =	sbarrier.arrive $0xFFFF;
	s2 =	simm.s32 @!p0 $0x1C03  }
0x22b: {  	[timem:s3], [sflag:s2] =	dma.local @!p0 [hbm:s0], s1  }
0x22c: {  	s0 =	simm.s32 @!p0 $0x3  }
0x22d: {  	_ =	swait.ge @!p0 [sflag:s0], s1  }
0x22e: {  	s1 =	ssub.s32 @!p0 $0x0, s1;
	[sflag:s0] =	ssyncset.done @!p0 $0x0  }
0x22f: {  	[sflag:s0] =	ssyncadd.s32 @!p0 s1  }
0x230: {  	[bflag:$0x3] =	sbarrier.arrive $0xFFFF  }
0x231: {  	_ =	shalt  }

</sc_bundles>
